<compile_context>
chip_gen: v7x
topology: tpu7x:2x2x1
jax: 0.10.2.dev20260603
libtpu: 0.0.44.dev20260713+nightly
codegen_flags: <defaults>
</compile_context>

<pallas_src>
import functools

import jax
import jax.numpy as jnp
from jax import lax
from jax.experimental import pallas as pl
from jax.experimental.pallas import tpu as pltpu
from jax.experimental.pallas import tpu_sc as plsc

NC = 2
NS = 16
NW = NC * NS
CHUNK = 128
NBUF = 2
WCHUNK = 128
DD = 16


def _sc_aggregate(featpad, edges, zfeat, zdeg, ones, n_pad, chunks, rt, d):
  mesh = plsc.VectorSubcoreMesh(core_axis_name="c", subcore_axis_name="s")
  rpd = rt // WCHUNK

  @functools.partial(
      pl.kernel,
      mesh=mesh,
      compiler_params=pltpu.CompilerParams(use_tc_tiling_on_sc=False),
      out_type=(
          jax.ShapeDtypeStruct((NC, n_pad, d), jnp.float32),
          jax.ShapeDtypeStruct((NC, n_pad, d), jnp.float32),
      ),
      scratch_types=[
          pltpu.VMEM((NBUF, 2, CHUNK), jnp.int32),
          pltpu.VMEM((NBUF, CHUNK, d), jnp.float32),
          pltpu.VMEM((CHUNK, DD), jnp.float32),
          pltpu.VMEM_SHARED((n_pad, d), jnp.float32),
          pltpu.VMEM_SHARED((n_pad, DD), jnp.float32),
          pltpu.SemaphoreType.DMA((NBUF,)),
          pltpu.SemaphoreType.DMA((NBUF,)),
      ],
  )
  def sc_agg(fp_hbm, e_hbm, zf_hbm, zd_hbm, ones_hbm, outs_hbm, outd_hbm,
             idx2, rows, onesv, acc, dacc, sem, dsem):
    c = lax.axis_index("c")
    s = lax.axis_index("s")
    wid = c * NS + s
    cbase = wid * chunks

    def gather_cp(b):
      return pltpu.make_async_copy(fp_hbm.at[idx2.at[b, 0]], rows.at[b],
                                   sem.at[b])

    def prefetch(j, b):
      pltpu.sync_copy(e_hbm.at[cbase + j], idx2.at[b])
      gather_cp(b).start()

    for b in range(NBUF):
      prefetch(b, b)

    row0 = s * rt
    for j in range(rpd):
      pltpu.sync_copy(zf_hbm, acc.at[pl.ds(row0 + j * WCHUNK, WCHUNK)])
    pltpu.sync_copy(zd_hbm, dacc.at[pl.ds(row0, rt)])
    pltpu.sync_copy(ones_hbm, onesv)
    plsc.subcore_barrier()

    def outer(i, carry):
      for b in range(NBUF):
        j = i * NBUF + b
        gather_cp(b).wait()
        dcp = pltpu.async_copy(onesv, dacc.at[idx2.at[b, 1]], dsem.at[b],
                               add=True)
        pltpu.sync_copy(rows.at[b], acc.at[idx2.at[b, 1]], add=True)
        dcp.wait()
        prefetch(j + NBUF, b)
      return carry

    lax.fori_loop(0, chunks // NBUF, outer, 0)
    for b in range(NBUF):
      gather_cp(b).wait()
    plsc.subcore_barrier()
    for j in range(rpd):
      r = row0 + j * WCHUNK
      pltpu.sync_copy(acc.at[pl.ds(r, WCHUNK)],
                      outs_hbm.at[c, pl.ds(r, WCHUNK)])
      for k in range(d // DD):
        pltpu.sync_copy(dacc.at[pl.ds(r, WCHUNK)],
                        outd_hbm.at[c, pl.ds(r, WCHUNK), pl.ds(DD * k, DD)])

  return sc_agg(featpad, edges, zfeat, zdeg, ones)


def _tc_body(eps_ref, sums_ref, deg_ref, feat_ref, w1_ref, b1_ref, w2_ref,
             b2_ref, out_ref):
  agg_sum = sums_ref[0] + sums_ref[1]
  deg = deg_ref[0] + deg_ref[1]
  agg = agg_sum / jnp.maximum(deg, 1.0)
  f = feat_ref[...]
  rst = (1.0 + eps_ref[0, 0]) * f + agg
  z = jnp.dot(rst, w1_ref[...], preferred_element_type=jnp.float32)
  z = jnp.maximum(z + b1_ref[...], 0.0)
  z = jnp.dot(z, w2_ref[...], preferred_element_type=jnp.float32)
  z = jnp.maximum(z + b2_ref[...], 0.0)
  out_ref[...] = z + f


def kernel(feat, edge_index, eps, W1, b1, W2, b2):
  n, d = feat.shape
  e = edge_index.shape[1]

  t_chunks = -(-e // (NW * CHUNK * NBUF)) * NW * NBUF
  e_pad = t_chunks * CHUNK
  per_w = e_pad // NW
  chunks = t_chunks // NW
  rt = -(-(n + 1) // (NS * WCHUNK)) * WCHUNK
  n_pad = NS * rt

  npad_tail = e_pad - e + NBUF * CHUNK
  pad_idx = n + jnp.arange(npad_tail, dtype=jnp.int32) % (n_pad - n)
  ei = edge_index.astype(jnp.int32)
  src = jnp.concatenate([ei[0], pad_idx]).reshape(-1, CHUNK)
  dst = jnp.concatenate([ei[1], pad_idx]).reshape(-1, CHUNK)
  edges = jnp.stack([src, dst], axis=1)

  featpad = jnp.pad(feat, ((0, n_pad - n), (0, 0)))
  zfeat = jnp.zeros((WCHUNK, d), jnp.float32)
  zdeg = jnp.zeros((rt, DD), jnp.float32)
  ones = jnp.ones((CHUNK, DD), jnp.float32)

  sums, deg = _sc_aggregate(featpad, edges, zfeat, zdeg, ones, n_pad,
                            chunks, rt, d)

  rows = 1024
  grid = -(-n // rows)
  out = pl.pallas_call(
      _tc_body,
      grid=(grid,),
      in_specs=[
          pl.BlockSpec(memory_space=pltpu.SMEM),
          pl.BlockSpec((NC, rows, d), lambda i: (0, i, 0)),
          pl.BlockSpec((NC, rows, d), lambda i: (0, i, 0)),
          pl.BlockSpec((rows, d), lambda i: (i, 0)),
          pl.BlockSpec((d, d), lambda i: (0, 0)),
          pl.BlockSpec((1, d), lambda i: (0, 0)),
          pl.BlockSpec((d, d), lambda i: (0, 0)),
          pl.BlockSpec((1, d), lambda i: (0, 0)),
      ],
      out_specs=pl.BlockSpec((rows, d), lambda i: (i, 0)),
      out_shape=jax.ShapeDtypeStruct((n, d), jnp.float32),
  )(jnp.asarray(eps, jnp.float32).reshape(1, 1), sums, deg, feat, W1,
    b1.reshape(1, d), W2, b2.reshape(1, d))
  return out

# --- scband reference (transcript-rebuilt; emitter-appended) ---
"""Pipeline reference for scband-deep-ginlayer-28982439313717 (READ-ONLY COPY).

The authoritative reference and input builder live on the scoring server;
editing this copy changes nothing except your own understanding.
"""

import jax, jax.numpy as jnp
import numpy as np

N_NODES = 10000
N_EDGES = 320000
D = 128

def setup_inputs(seed: int = 0) -> dict:
    key = jax.random.key(seed)
    k1, k2, k3, k4, k5, k6 = jax.random.split(key, 6)
    feat = jax.random.normal(k1, (N_NODES, D), dtype=jnp.float32)
    edge_index = jax.random.randint(k2, (2, N_EDGES), 0, N_NODES, dtype=jnp.int64)
    # GINConv learnable eps (init 0.0)
    eps = jnp.zeros((), dtype=jnp.float32)
    # MLP(in_dim=128, hidden=out_dim=128, out=128, num_layers=2)
    W1 = jax.random.normal(k3, (D, D), dtype=jnp.float32) * (1.0 / np.sqrt(D))
    b1 = jnp.zeros((D,), dtype=jnp.float32)
    W2 = jax.random.normal(k4, (D, D), dtype=jnp.float32) * (1.0 / np.sqrt(D))
    b2 = jnp.zeros((D,), dtype=jnp.float32)
    return {"feat": feat, "edge_index": edge_index, "eps": eps, "W1": W1, "b1": b1, "W2": W2, "b2": b2}

def reference(feat, edge_index, eps, W1, b1, W2, b2):
    # feat_drop with p=0.0 -> identity (eval semantics)
    h = feat
    src = edge_index[0]
    dst = edge_index[1]
    # GINConv with 'mean' aggregator and learn_eps:
    # rst = apply_func((1 + eps) * h + mean_{u in N(v)} h_u)
    msg = jnp.take(h, src, axis=0)
    agg_sum = jax.ops.segment_sum(msg, dst, num_segments=N_NODES)
    deg = jax.ops.segment_sum(jnp.ones((N_EDGES,), dtype=jnp.float32), dst, num_segments=N_NODES)
    agg = agg_sum / jnp.clip(deg, 1.0, None)[:, None]
    rst = (1.0 + eps) * h + agg
    # MLP: Linear -> relu -> Linear (no activation after last layer)
    z = jnp.maximum(rst @ W1 + b1, 0.0)
    z = z @ W2 + b2
    # outer activation (relu)
    z = jnp.maximum(z, 0.0)
    # residual: in_dim == out_dim -> Identity res_fc
    z = z + feat
    # norm is None -> skip
    return z

if __name__ == "__main__":
    import jax
    _d = setup_inputs()
    print(jax.jit(kernel)(*tuple(_d.values())))

</pallas_src>

<mosaic_0001>
#map = affine_map<(d0, d1) -> (0, 0)>
#map1 = affine_map<(d0, d1) -> (0, 0, 0)>
module attributes {stable_mosaic.version = 14 : i64} {
  func.func @sc_agg(%arg0: i32, %arg1: i32, %arg2: memref<10240x128xf32, #tpu.memory_space<hbm>>, %arg3: memref<2562x2x128xi32, #tpu.memory_space<hbm>>, %arg4: memref<128x128xf32, #tpu.memory_space<hbm>>, %arg5: memref<640x16xf32, #tpu.memory_space<hbm>>, %arg6: memref<128x16xf32, #tpu.memory_space<hbm>>, %arg7: memref<2x10240x128xf32, #tpu.memory_space<hbm>>, %arg8: memref<2x10240x128xf32, #tpu.memory_space<hbm>>, %arg9: memref<2x2x128xi32, #tpu.memory_space<vmem>>, %arg10: memref<2x128x128xf32, #tpu.memory_space<vmem>>, %arg11: memref<128x16xf32, #tpu.memory_space<vmem>>, %arg12: memref<10240x128xf32, #tpu.memory_space<vmem_shared>>, %arg13: memref<10240x16xf32, #tpu.memory_space<vmem_shared>>, %arg14: memref<2x!tpu.dma_semaphore, #tpu.memory_space<semaphore_mem>>, %arg15: memref<2x!tpu.dma_semaphore, #tpu.memory_space<semaphore_mem>>) attributes {dimension_semantics = [#tpu.dimension_semantics<core_parallel>, #tpu.dimension_semantics<subcore_parallel>], iteration_bounds = array<i64: 2, 16>, scalar_prefetch = 0 : i64, scratch_operands = 7 : i64, tpu.core_type = #tpu.core_type<sc_vector_subcore>, window_params = [{transform_indices = #map}, {transform_indices = #map1}, {transform_indices = #map}, {transform_indices = #map}, {transform_indices = #map}, {transform_indices = #map1}, {transform_indices = #map1}]} {
    %mul3A = arith.constant 16 : i32
    %mul3A_0 = arith.muli %arg0, %mul3A : i32
    %add3A = arith.addi %mul3A_0, %arg1 : i32
    %mul3A_1 = arith.constant 80 : i32
    %mul3A_2 = arith.muli %add3A, %mul3A_1 : i32
    %add3A_3 = arith.constant 0 : i32
    %add3A_4 = arith.addi %mul3A_2, %add3A_3 : i32
    %run_scoped3A = arith.constant 0 : i32
    "tpu.region"() ({
      %run_scoped3A_98 = tpu.sem_alloc : memref<!tpu.dma_semaphore, #tpu.memory_space<semaphore_mem>>
      %dma_start3A_99 = arith.constant 0 : i32
      %dma_start3A_100 = arith.constant 0 : i32
      %dma_start3A_101 = tpu.memref_slice %arg9[%run_scoped3A, %dma_start3A_99, %dma_start3A_100] : memref<2x2x128xi32, #tpu.memory_space<vmem>> -> memref<1x2x128xi32, #tpu.memory_space<vmem>>
      %dma_start3A_102 = tpu.memref_squeeze %dma_start3A_101 : memref<1x2x128xi32, #tpu.memory_space<vmem>> -> memref<2x128xi32, #tpu.memory_space<vmem>>
      %dma_start3A_103 = arith.constant 0 : i32
      %dma_start3A_104 = arith.constant 0 : i32
      %dma_start3A_105 = tpu.memref_slice %arg3[%add3A_4, %dma_start3A_103, %dma_start3A_104] : memref<2562x2x128xi32, #tpu.memory_space<hbm>> -> memref<1x2x128xi32, #tpu.memory_space<hbm>>
      %dma_start3A_106 = tpu.memref_squeeze %dma_start3A_105 : memref<1x2x128xi32, #tpu.memory_space<hbm>> -> memref<2x128xi32, #tpu.memory_space<hbm>>
      %dma_start3A_107 = arith.constant 0 : i32
      %dma_start3A_108 = arith.constant 0 : i32
      %dma_start3A_109 = tpu.memref_slice %arg9[%run_scoped3A, %dma_start3A_107, %dma_start3A_108] : memref<2x2x128xi32, #tpu.memory_space<vmem>> -> memref<1x2x128xi32, #tpu.memory_space<vmem>>
      %dma_start3A_110 = tpu.memref_squeeze %dma_start3A_109 : memref<1x2x128xi32, #tpu.memory_space<vmem>> -> memref<2x128xi32, #tpu.memory_space<vmem>>
      %dma_start3A_111 = arith.constant 0 : i32
      %dma_start3A_112 = arith.constant 0 : i32
      %dma_start3A_113 = tpu.memref_slice %arg3[%add3A_4, %dma_start3A_111, %dma_start3A_112] : memref<2562x2x128xi32, #tpu.memory_space<hbm>> -> memref<1x2x128xi32, #tpu.memory_space<hbm>>
      %dma_start3A_114 = tpu.memref_squeeze %dma_start3A_113 : memref<1x2x128xi32, #tpu.memory_space<hbm>> -> memref<2x128xi32, #tpu.memory_space<hbm>>
      tpu.enqueue_dma source(%dma_start3A_114 : memref<2x128xi32, #tpu.memory_space<hbm>>) target(%dma_start3A_110 : memref<2x128xi32, #tpu.memory_space<vmem>>) target_semaphore(%run_scoped3A_98 : memref<!tpu.dma_semaphore, #tpu.memory_space<semaphore_mem>>)
      %dma_wait3A_115 = arith.constant 0 : i32
      %dma_wait3A_116 = arith.constant 0 : i32
      %dma_wait3A_117 = tpu.memref_slice %arg9[%run_scoped3A, %dma_wait3A_115, %dma_wait3A_116] : memref<2x2x128xi32, #tpu.memory_space<vmem>> -> memref<1x2x128xi32, #tpu.memory_space<vmem>>
      %dma_wait3A_118 = tpu.memref_squeeze %dma_wait3A_117 : memref<1x2x128xi32, #tpu.memory_space<vmem>> -> memref<2x128xi32, #tpu.memory_space<vmem>>
      %dma_wait3A_119 = arith.constant 0 : i32
      %dma_wait3A_120 = arith.constant 0 : i32
      %dma_wait3A_121 = tpu.memref_slice %arg3[%add3A_4, %dma_wait3A_119, %dma_wait3A_120] : memref<2562x2x128xi32, #tpu.memory_space<hbm>> -> memref<1x2x128xi32, #tpu.memory_space<hbm>>
      %dma_wait3A_122 = tpu.memref_squeeze %dma_wait3A_121 : memref<1x2x128xi32, #tpu.memory_space<hbm>> -> memref<2x128xi32, #tpu.memory_space<hbm>>
      %dma_wait3A_123 = arith.constant 0 : i32
      %dma_wait3A_124 = arith.constant 0 : i32
      %dma_wait3A_125 = tpu.memref_slice %arg9[%run_scoped3A, %dma_wait3A_123, %dma_wait3A_124] : memref<2x2x128xi32, #tpu.memory_space<vmem>> -> memref<1x2x128xi32, #tpu.memory_space<vmem>>
      %dma_wait3A_126 = tpu.memref_squeeze %dma_wait3A_125 : memref<1x2x128xi32, #tpu.memory_space<vmem>> -> memref<2x128xi32, #tpu.memory_space<vmem>>
      %dma_wait3A_127 = arith.constant 0 : i32
      %dma_wait3A_128 = arith.constant 0 : i32
      %dma_wait3A_129 = tpu.memref_slice %arg3[%add3A_4, %dma_wait3A_127, %dma_wait3A_128] : memref<2562x2x128xi32, #tpu.memory_space<hbm>> -> memref<1x2x128xi32, #tpu.memory_space<hbm>>
      %dma_wait3A_130 = tpu.memref_squeeze %dma_wait3A_129 : memref<1x2x128xi32, #tpu.memory_space<hbm>> -> memref<2x128xi32, #tpu.memory_space<hbm>>
      tpu.wait_dma2 semaphore(%run_scoped3A_98 : memref<!tpu.dma_semaphore, #tpu.memory_space<semaphore_mem>>) src(%dma_wait3A_130 : memref<2x128xi32, #tpu.memory_space<hbm>>) dst(%dma_wait3A_126 : memref<2x128xi32, #tpu.memory_space<vmem>>)
      tpu.yield
    }) : () -> ()
    %dma_start3A = arith.constant 0 : i32
    %dma_start3A_5 = arith.constant 0 : i32
    %dma_start3A_6 = arith.constant 0 : i32
    %dma_start3A_7 = arith.constant 0 : i32
    %dma_start3A_8 = arith.constant 0 : i32
    %dma_start3A_9 = arith.constant 0 : i32
    %dma_start3A_10 = tpu.memref_slice %arg10[%dma_start3A_6, %dma_start3A_8, %dma_start3A_9] : memref<2x128x128xf32, #tpu.memory_space<vmem>> -> memref<1x128x128xf32, #tpu.memory_space<vmem>>
    %dma_start3A_11 = tpu.memref_squeeze %dma_start3A_10 : memref<1x128x128xf32, #tpu.memory_space<vmem>> -> memref<128x128xf32, #tpu.memory_space<vmem>>
    %dma_start3A_12 = arith.constant 0 : i32
    %dma_start3A_13 = tpu.memref_slice %arg9[%dma_start3A, %dma_start3A_5, %dma_start3A_12] : memref<2x2x128xi32, #tpu.memory_space<vmem>> -> memref<1x1x128xi32, #tpu.memory_space<vmem>>
    %dma_start3A_14 = tpu.memref_squeeze %dma_start3A_13 : memref<1x1x128xi32, #tpu.memory_space<vmem>> -> memref<128xi32, #tpu.memory_space<vmem>>
    %dma_start3A_15 = arith.constant 0 : i32
    %dma_start3A_16 = arith.constant 0 : i32
    %dma_start3A_17 = tpu.memref_slice %arg2[%dma_start3A_15, %dma_start3A_16] : memref<10240x128xf32, #tpu.memory_space<hbm>> -> memref<10240x128xf32, #tpu.memory_space<hbm>>
    %dma_start3A_18 = tpu.memref_slice %arg14[%dma_start3A_7] : memref<2x!tpu.dma_semaphore, #tpu.memory_space<semaphore_mem>> -> memref<1x!tpu.dma_semaphore, #tpu.memory_space<semaphore_mem>>
    %dma_start3A_19 = tpu.memref_squeeze %dma_start3A_18 : memref<1x!tpu.dma_semaphore, #tpu.memory_space<semaphore_mem>> -> memref<!tpu.dma_semaphore, #tpu.memory_space<semaphore_mem>>
    tpu.enqueue_indirect_dma source(%dma_start3A_17 : memref<10240x128xf32, #tpu.memory_space<hbm>>) target(%dma_start3A_11 : memref<128x128xf32, #tpu.memory_space<vmem>>) offsets(%dma_start3A_14 : memref<128xi32, #tpu.memory_space<vmem>>) semaphore(%dma_start3A_19 : memref<!tpu.dma_semaphore, #tpu.memory_space<semaphore_mem>>)
    %add3A_20 = arith.constant 1 : i32
    %add3A_21 = arith.addi %mul3A_2, %add3A_20 : i32
    %run_scoped3A_22 = arith.constant 1 : i32
    "tpu.region"() ({
      %run_scoped3A_98 = tpu.sem_alloc : memref<!tpu.dma_semaphore, #tpu.memory_space<semaphore_mem>>
      %dma_start3A_99 = arith.constant 0 : i32
      %dma_start3A_100 = arith.constant 0 : i32
      %dma_start3A_101 = tpu.memref_slice %arg9[%run_scoped3A_22, %dma_start3A_99, %dma_start3A_100] : memref<2x2x128xi32, #tpu.memory_space<vmem>> -> memref<1x2x128xi32, #tpu.memory_space<vmem>>
      %dma_start3A_102 = tpu.memref_squeeze %dma_start3A_101 : memref<1x2x128xi32, #tpu.memory_space<vmem>> -> memref<2x128xi32, #tpu.memory_space<vmem>>
      %dma_start3A_103 = arith.constant 0 : i32
      %dma_start3A_104 = arith.constant 0 : i32
      %dma_start3A_105 = tpu.memref_slice %arg3[%add3A_21, %dma_start3A_103, %dma_start3A_104] : memref<2562x2x128xi32, #tpu.memory_space<hbm>> -> memref<1x2x128xi32, #tpu.memory_space<hbm>>
      %dma_start3A_106 = tpu.memref_squeeze %dma_start3A_105 : memref<1x2x128xi32, #tpu.memory_space<hbm>> -> memref<2x128xi32, #tpu.memory_space<hbm>>
      %dma_start3A_107 = arith.constant 0 : i32
      %dma_start3A_108 = arith.constant 0 : i32
      %dma_start3A_109 = tpu.memref_slice %arg9[%run_scoped3A_22, %dma_start3A_107, %dma_start3A_108] : memref<2x2x128xi32, #tpu.memory_space<vmem>> -> memref<1x2x128xi32, #tpu.memory_space<vmem>>
      %dma_start3A_110 = tpu.memref_squeeze %dma_start3A_109 : memref<1x2x128xi32, #tpu.memory_space<vmem>> -> memref<2x128xi32, #tpu.memory_space<vmem>>
      %dma_start3A_111 = arith.constant 0 : i32
      %dma_start3A_112 = arith.constant 0 : i32
      %dma_start3A_113 = tpu.memref_slice %arg3[%add3A_21, %dma_start3A_111, %dma_start3A_112] : memref<2562x2x128xi32, #tpu.memory_space<hbm>> -> memref<1x2x128xi32, #tpu.memory_space<hbm>>
      %dma_start3A_114 = tpu.memref_squeeze %dma_start3A_113 : memref<1x2x128xi32, #tpu.memory_space<hbm>> -> memref<2x128xi32, #tpu.memory_space<hbm>>
      tpu.enqueue_dma source(%dma_start3A_114 : memref<2x128xi32, #tpu.memory_space<hbm>>) target(%dma_start3A_110 : memref<2x128xi32, #tpu.memory_space<vmem>>) target_semaphore(%run_scoped3A_98 : memref<!tpu.dma_semaphore, #tpu.memory_space<semaphore_mem>>)
      %dma_wait3A_115 = arith.constant 0 : i32
      %dma_wait3A_116 = arith.constant 0 : i32
      %dma_wait3A_117 = tpu.memref_slice %arg9[%run_scoped3A_22, %dma_wait3A_115, %dma_wait3A_116] : memref<2x2x128xi32, #tpu.memory_space<vmem>> -> memref<1x2x128xi32, #tpu.memory_space<vmem>>
      %dma_wait3A_118 = tpu.memref_squeeze %dma_wait3A_117 : memref<1x2x128xi32, #tpu.memory_space<vmem>> -> memref<2x128xi32, #tpu.memory_space<vmem>>
      %dma_wait3A_119 = arith.constant 0 : i32
      %dma_wait3A_120 = arith.constant 0 : i32
      %dma_wait3A_121 = tpu.memref_slice %arg3[%add3A_21, %dma_wait3A_119, %dma_wait3A_120] : memref<2562x2x128xi32, #tpu.memory_space<hbm>> -> memref<1x2x128xi32, #tpu.memory_space<hbm>>
      %dma_wait3A_122 = tpu.memref_squeeze %dma_wait3A_121 : memref<1x2x128xi32, #tpu.memory_space<hbm>> -> memref<2x128xi32, #tpu.memory_space<hbm>>
      %dma_wait3A_123 = arith.constant 0 : i32
      %dma_wait3A_124 = arith.constant 0 : i32
      %dma_wait3A_125 = tpu.memref_slice %arg9[%run_scoped3A_22, %dma_wait3A_123, %dma_wait3A_124] : memref<2x2x128xi32, #tpu.memory_space<vmem>> -> memref<1x2x128xi32, #tpu.memory_space<vmem>>
      %dma_wait3A_126 = tpu.memref_squeeze %dma_wait3A_125 : memref<1x2x128xi32, #tpu.memory_space<vmem>> -> memref<2x128xi32, #tpu.memory_space<vmem>>
      %dma_wait3A_127 = arith.constant 0 : i32
      %dma_wait3A_128 = arith.constant 0 : i32
      %dma_wait3A_129 = tpu.memref_slice %arg3[%add3A_21, %dma_wait3A_127, %dma_wait3A_128] : memref<2562x2x128xi32, #tpu.memory_space<hbm>> -> memref<1x2x128xi32, #tpu.memory_space<hbm>>
      %dma_wait3A_130 = tpu.memref_squeeze %dma_wait3A_129 : memref<1x2x128xi32, #tpu.memory_space<hbm>> -> memref<2x128xi32, #tpu.memory_space<hbm>>
      tpu.wait_dma2 semaphore(%run_scoped3A_98 : memref<!tpu.dma_semaphore, #tpu.memory_space<semaphore_mem>>) src(%dma_wait3A_130 : memref<2x128xi32, #tpu.memory_space<hbm>>) dst(%dma_wait3A_126 : memref<2x128xi32, #tpu.memory_space<vmem>>)
      tpu.yield
    }) : () -> ()
    %dma_start3A_23 = arith.constant 1 : i32
    %dma_start3A_24 = arith.constant 0 : i32
    %dma_start3A_25 = arith.constant 1 : i32
    %dma_start3A_26 = arith.constant 1 : i32
    %dma_start3A_27 = arith.constant 0 : i32
    %dma_start3A_28 = arith.constant 0 : i32
    %dma_start3A_29 = tpu.memref_slice %arg10[%dma_start3A_25, %dma_start3A_27, %dma_start3A_28] : memref<2x128x128xf32, #tpu.memory_space<vmem>> -> memref<1x128x128xf32, #tpu.memory_space<vmem>>
    %dma_start3A_30 = tpu.memref_squeeze %dma_start3A_29 : memref<1x128x128xf32, #tpu.memory_space<vmem>> -> memref<128x128xf32, #tpu.memory_space<vmem>>
    %dma_start3A_31 = arith.constant 0 : i32
    %dma_start3A_32 = tpu.memref_slice %arg9[%dma_start3A_23, %dma_start3A_24, %dma_start3A_31] : memref<2x2x128xi32, #tpu.memory_space<vmem>> -> memref<1x1x128xi32, #tpu.memory_space<vmem>>
    %dma_start3A_33 = tpu.memref_squeeze %dma_start3A_32 : memref<1x1x128xi32, #tpu.memory_space<vmem>> -> memref<128xi32, #tpu.memory_space<vmem>>
    %dma_start3A_34 = arith.constant 0 : i32
    %dma_start3A_35 = arith.constant 0 : i32
    %dma_start3A_36 = tpu.memref_slice %arg2[%dma_start3A_34, %dma_start3A_35] : memref<10240x128xf32, #tpu.memory_space<hbm>> -> memref<10240x128xf32, #tpu.memory_space<hbm>>
    %dma_start3A_37 = tpu.memref_slice %arg14[%dma_start3A_26] : memref<2x!tpu.dma_semaphore, #tpu.memory_space<semaphore_mem>> -> memref<1x!tpu.dma_semaphore, #tpu.memory_space<semaphore_mem>>
    %dma_start3A_38 = tpu.memref_squeeze %dma_start3A_37 : memref<1x!tpu.dma_semaphore, #tpu.memory_space<semaphore_mem>> -> memref<!tpu.dma_semaphore, #tpu.memory_space<semaphore_mem>>
    tpu.enqueue_indirect_dma source(%dma_start3A_36 : memref<10240x128xf32, #tpu.memory_space<hbm>>) target(%dma_start3A_30 : memref<128x128xf32, #tpu.memory_space<vmem>>) offsets(%dma_start3A_33 : memref<128xi32, #tpu.memory_space<vmem>>) semaphore(%dma_start3A_38 : memref<!tpu.dma_semaphore, #tpu.memory_space<semaphore_mem>>)
    %mul3A_39 = arith.constant 640 : i32
    %mul3A_40 = arith.muli %arg1, %mul3A_39 : i32
    %add3A_41 = arith.constant 0 : i32
    %add3A_42 = arith.addi %mul3A_40, %add3A_41 : i32
    "tpu.region"() ({
      %run_scoped3A_98 = tpu.sem_alloc : memref<!tpu.dma_semaphore, #tpu.memory_space<semaphore_mem>>
      %dma_start3A_99 = arith.constant 0 : i32
      %dma_start3A_100 = tpu.memref_slice %arg12[%add3A_42, %dma_start3A_99] : memref<10240x128xf32, #tpu.memory_space<vmem_shared>> -> memref<128x128xf32, #tpu.memory_space<vmem_shared>>
      tpu.enqueue_dma source(%arg4 : memref<128x128xf32, #tpu.memory_space<hbm>>) target(%dma_start3A_100 : memref<128x128xf32, #tpu.memory_space<vmem_shared>>) target_semaphore(%run_scoped3A_98 : memref<!tpu.dma_semaphore, #tpu.memory_space<semaphore_mem>>)
      %dma_wait3A_101 = arith.constant 0 : i32
      %dma_wait3A_102 = tpu.memref_slice %arg12[%add3A_42, %dma_wait3A_101] : memref<10240x128xf32, #tpu.memory_space<vmem_shared>> -> memref<128x128xf32, #tpu.memory_space<vmem_shared>>
      tpu.wait_dma2 semaphore(%run_scoped3A_98 : memref<!tpu.dma_semaphore, #tpu.memory_space<semaphore_mem>>) src(%arg4 : memref<128x128xf32, #tpu.memory_space<hbm>>) dst(%dma_wait3A_102 : memref<128x128xf32, #tpu.memory_space<vmem_shared>>)
      tpu.yield
    }) : () -> ()
    %add3A_43 = arith.constant 128 : i32
    %add3A_44 = arith.addi %mul3A_40, %add3A_43 : i32
    "tpu.region"() ({
      %run_scoped3A_98 = tpu.sem_alloc : memref<!tpu.dma_semaphore, #tpu.memory_space<semaphore_mem>>
      %dma_start3A_99 = arith.constant 0 : i32
      %dma_start3A_100 = tpu.memref_slice %arg12[%add3A_44, %dma_start3A_99] : memref<10240x128xf32, #tpu.memory_space<vmem_shared>> -> memref<128x128xf32, #tpu.memory_space<vmem_shared>>
      tpu.enqueue_dma source(%arg4 : memref<128x128xf32, #tpu.memory_space<hbm>>) target(%dma_start3A_100 : memref<128x128xf32, #tpu.memory_space<vmem_shared>>) target_semaphore(%run_scoped3A_98 : memref<!tpu.dma_semaphore, #tpu.memory_space<semaphore_mem>>)
      %dma_wait3A_101 = arith.constant 0 : i32
      %dma_wait3A_102 = tpu.memref_slice %arg12[%add3A_44, %dma_wait3A_101] : memref<10240x128xf32, #tpu.memory_space<vmem_shared>> -> memref<128x128xf32, #tpu.memory_space<vmem_shared>>
      tpu.wait_dma2 semaphore(%run_scoped3A_98 : memref<!tpu.dma_semaphore, #tpu.memory_space<semaphore_mem>>) src(%arg4 : memref<128x128xf32, #tpu.memory_space<hbm>>) dst(%dma_wait3A_102 : memref<128x128xf32, #tpu.memory_space<vmem_shared>>)
      tpu.yield
    }) : () -> ()
    %add3A_45 = arith.constant 256 : i32
    %add3A_46 = arith.addi %mul3A_40, %add3A_45 : i32
    "tpu.region"() ({
      %run_scoped3A_98 = tpu.sem_alloc : memref<!tpu.dma_semaphore, #tpu.memory_space<semaphore_mem>>
      %dma_start3A_99 = arith.constant 0 : i32
      %dma_start3A_100 = tpu.memref_slice %arg12[%add3A_46, %dma_start3A_99] : memref<10240x128xf32, #tpu.memory_space<vmem_shared>> -> memref<128x128xf32, #tpu.memory_space<vmem_shared>>
      tpu.enqueue_dma source(%arg4 : memref<128x128xf32, #tpu.memory_space<hbm>>) target(%dma_start3A_100 : memref<128x128xf32, #tpu.memory_space<vmem_shared>>) target_semaphore(%run_scoped3A_98 : memref<!tpu.dma_semaphore, #tpu.memory_space<semaphore_mem>>)
      %dma_wait3A_101 = arith.constant 0 : i32
      %dma_wait3A_102 = tpu.memref_slice %arg12[%add3A_46, %dma_wait3A_101] : memref<10240x128xf32, #tpu.memory_space<vmem_shared>> -> memref<128x128xf32, #tpu.memory_space<vmem_shared>>
      tpu.wait_dma2 semaphore(%run_scoped3A_98 : memref<!tpu.dma_semaphore, #tpu.memory_space<semaphore_mem>>) src(%arg4 : memref<128x128xf32, #tpu.memory_space<hbm>>) dst(%dma_wait3A_102 : memref<128x128xf32, #tpu.memory_space<vmem_shared>>)
      tpu.yield
    }) : () -> ()
    %add3A_47 = arith.constant 384 : i32
    %add3A_48 = arith.addi %mul3A_40, %add3A_47 : i32
    "tpu.region"() ({
      %run_scoped3A_98 = tpu.sem_alloc : memref<!tpu.dma_semaphore, #tpu.memory_space<semaphore_mem>>
      %dma_start3A_99 = arith.constant 0 : i32
      %dma_start3A_100 = tpu.memref_slice %arg12[%add3A_48, %dma_start3A_99] : memref<10240x128xf32, #tpu.memory_space<vmem_shared>> -> memref<128x128xf32, #tpu.memory_space<vmem_shared>>
      tpu.enqueue_dma source(%arg4 : memref<128x128xf32, #tpu.memory_space<hbm>>) target(%dma_start3A_100 : memref<128x128xf32, #tpu.memory_space<vmem_shared>>) target_semaphore(%run_scoped3A_98 : memref<!tpu.dma_semaphore, #tpu.memory_space<semaphore_mem>>)
      %dma_wait3A_101 = arith.constant 0 : i32
      %dma_wait3A_102 = tpu.memref_slice %arg12[%add3A_48, %dma_wait3A_101] : memref<10240x128xf32, #tpu.memory_space<vmem_shared>> -> memref<128x128xf32, #tpu.memory_space<vmem_shared>>
      tpu.wait_dma2 semaphore(%run_scoped3A_98 : memref<!tpu.dma_semaphore, #tpu.memory_space<semaphore_mem>>) src(%arg4 : memref<128x128xf32, #tpu.memory_space<hbm>>) dst(%dma_wait3A_102 : memref<128x128xf32, #tpu.memory_space<vmem_shared>>)
      tpu.yield
    }) : () -> ()
    %add3A_49 = arith.constant 512 : i32
    %add3A_50 = arith.addi %mul3A_40, %add3A_49 : i32
    "tpu.region"() ({
      %run_scoped3A_98 = tpu.sem_alloc : memref<!tpu.dma_semaphore, #tpu.memory_space<semaphore_mem>>
      %dma_start3A_99 = arith.constant 0 : i32
      %dma_start3A_100 = tpu.memref_slice %arg12[%add3A_50, %dma_start3A_99] : memref<10240x128xf32, #tpu.memory_space<vmem_shared>> -> memref<128x128xf32, #tpu.memory_space<vmem_shared>>
      tpu.enqueue_dma source(%arg4 : memref<128x128xf32, #tpu.memory_space<hbm>>) target(%dma_start3A_100 : memref<128x128xf32, #tpu.memory_space<vmem_shared>>) target_semaphore(%run_scoped3A_98 : memref<!tpu.dma_semaphore, #tpu.memory_space<semaphore_mem>>)
      %dma_wait3A_101 = arith.constant 0 : i32
      %dma_wait3A_102 = tpu.memref_slice %arg12[%add3A_50, %dma_wait3A_101] : memref<10240x128xf32, #tpu.memory_space<vmem_shared>> -> memref<128x128xf32, #tpu.memory_space<vmem_shared>>
      tpu.wait_dma2 semaphore(%run_scoped3A_98 : memref<!tpu.dma_semaphore, #tpu.memory_space<semaphore_mem>>) src(%arg4 : memref<128x128xf32, #tpu.memory_space<hbm>>) dst(%dma_wait3A_102 : memref<128x128xf32, #tpu.memory_space<vmem_shared>>)
      tpu.yield
    }) : () -> ()
    "tpu.region"() ({
      %run_scoped3A_98 = tpu.sem_alloc : memref<!tpu.dma_semaphore, #tpu.memory_space<semaphore_mem>>
      %dma_start3A_99 = arith.constant 0 : i32
      %dma_start3A_100 = tpu.memref_slice %arg13[%mul3A_40, %dma_start3A_99] : memref<10240x16xf32, #tpu.memory_space<vmem_shared>> -> memref<640x16xf32, #tpu.memory_space<vmem_shared>>
      tpu.enqueue_dma source(%arg5 : memref<640x16xf32, #tpu.memory_space<hbm>>) target(%dma_start3A_100 : memref<640x16xf32, #tpu.memory_space<vmem_shared>>) target_semaphore(%run_scoped3A_98 : memref<!tpu.dma_semaphore, #tpu.memory_space<semaphore_mem>>)
      %dma_wait3A_101 = arith.constant 0 : i32
      %dma_wait3A_102 = tpu.memref_slice %arg13[%mul3A_40, %dma_wait3A_101] : memref<10240x16xf32, #tpu.memory_space<vmem_shared>> -> memref<640x16xf32, #tpu.memory_space<vmem_shared>>
      tpu.wait_dma2 semaphore(%run_scoped3A_98 : memref<!tpu.dma_semaphore, #tpu.memory_space<semaphore_mem>>) src(%arg5 : memref<640x16xf32, #tpu.memory_space<hbm>>) dst(%dma_wait3A_102 : memref<640x16xf32, #tpu.memory_space<vmem_shared>>)
      tpu.yield
    }) : () -> ()
    "tpu.region"() ({
      %run_scoped3A_98 = tpu.sem_alloc : memref<!tpu.dma_semaphore, #tpu.memory_space<semaphore_mem>>
      tpu.enqueue_dma source(%arg6 : memref<128x16xf32, #tpu.memory_space<hbm>>) target(%arg11 : memref<128x16xf32, #tpu.memory_space<vmem>>) target_semaphore(%run_scoped3A_98 : memref<!tpu.dma_semaphore, #tpu.memory_space<semaphore_mem>>)
      tpu.wait_dma2 semaphore(%run_scoped3A_98 : memref<!tpu.dma_semaphore, #tpu.memory_space<semaphore_mem>>) src(%arg6 : memref<128x16xf32, #tpu.memory_space<hbm>>) dst(%arg11 : memref<128x16xf32, #tpu.memory_space<vmem>>)
      tpu.yield
    }) : () -> ()
    %barrier3A = arith.constant 0 : index
    tpu.barrier barrier_id(%barrier3A)
    %scan3A = arith.constant 0 : i32
    %scan3A_51 = arith.constant 0 : i32
    %scan3A_52 = arith.constant 40 : i32
    %scan3A_53 = arith.addi %scan3A_51, %scan3A_52 : i32
    %scan3A_54 = arith.constant 1 : i32
    scf.for %scan3A_98 = %scan3A_51 to %scan3A_53 step %scan3A_54  : i32 {
      %mul3A_99 = arith.constant 2 : i32
      %mul3A_100 = arith.muli %scan3A_98, %mul3A_99 : i32
      %add3A_101 = arith.constant 0 : i32
      %add3A_102 = arith.addi %mul3A_100, %add3A_101 : i32
      %dma_wait3A_103 = arith.constant 0 : i32
      %dma_wait3A_104 = arith.constant 0 : i32
      %dma_wait3A_105 = arith.constant 0 : i32
      %dma_wait3A_106 = arith.constant 0 : i32
      %dma_wait3A_107 = arith.constant 0 : i32
      %dma_wait3A_108 = arith.constant 0 : i32
      %dma_wait3A_109 = tpu.memref_slice %arg10[%dma_wait3A_105, %dma_wait3A_107, %dma_wait3A_108] : memref<2x128x128xf32, #tpu.memory_space<vmem>> -> memref<1x128x128xf32, #tpu.memory_space<vmem>>
      %dma_wait3A_110 = tpu.memref_squeeze %dma_wait3A_109 : memref<1x128x128xf32, #tpu.memory_space<vmem>> -> memref<128x128xf32, #tpu.memory_space<vmem>>
      %dma_wait3A_111 = arith.constant 0 : i32
      %dma_wait3A_112 = tpu.memref_slice %arg9[%dma_wait3A_103, %dma_wait3A_104, %dma_wait3A_111] : memref<2x2x128xi32, #tpu.memory_space<vmem>> -> memref<1x1x128xi32, #tpu.memory_space<vmem>>
      %dma_wait3A_113 = tpu.memref_squeeze %dma_wait3A_112 : memref<1x1x128xi32, #tpu.memory_space<vmem>> -> memref<128xi32, #tpu.memory_space<vmem>>
      %dma_wait3A_114 = arith.constant 0 : i32
      %dma_wait3A_115 = arith.constant 0 : i32
      %dma_wait3A_116 = tpu.memref_slice %arg2[%dma_wait3A_114, %dma_wait3A_115] : memref<10240x128xf32, #tpu.memory_space<hbm>> -> memref<10240x128xf32, #tpu.memory_space<hbm>>
      %dma_wait3A_117 = tpu.memref_slice %arg14[%dma_wait3A_106] : memref<2x!tpu.dma_semaphore, #tpu.memory_space<semaphore_mem>> -> memref<1x!tpu.dma_semaphore, #tpu.memory_space<semaphore_mem>>
      %dma_wait3A_118 = tpu.memref_squeeze %dma_wait3A_117 : memref<1x!tpu.dma_semaphore, #tpu.memory_space<semaphore_mem>> -> memref<!tpu.dma_semaphore, #tpu.memory_space<semaphore_mem>>
      tpu.wait_indirect_dma semaphore(%dma_wait3A_118 : memref<!tpu.dma_semaphore, #tpu.memory_space<semaphore_mem>>) src(%dma_wait3A_116 : memref<10240x128xf32, #tpu.memory_space<hbm>>) dst(%dma_wait3A_110 : memref<128x128xf32, #tpu.memory_space<vmem>>)
      %dma_start3A_119 = arith.constant 0 : i32
      %dma_start3A_120 = arith.constant 1 : i32
      %dma_start3A_121 = arith.constant 0 : i32
      %dma_start3A_122 = arith.constant 0 : i32
      %dma_start3A_123 = tpu.memref_slice %arg9[%dma_start3A_119, %dma_start3A_120, %dma_start3A_122] : memref<2x2x128xi32, #tpu.memory_space<vmem>> -> memref<1x1x128xi32, #tpu.memory_space<vmem>>
      %dma_start3A_124 = tpu.memref_squeeze %dma_start3A_123 : memref<1x1x128xi32, #tpu.memory_space<vmem>> -> memref<128xi32, #tpu.memory_space<vmem>>
      %dma_start3A_125 = arith.constant 0 : i32
      %dma_start3A_126 = arith.constant 0 : i32
      %dma_start3A_127 = tpu.memref_slice %arg13[%dma_start3A_125, %dma_start3A_126] : memref<10240x16xf32, #tpu.memory_space<vmem_shared>> -> memref<10240x16xf32, #tpu.memory_space<vmem_shared>>
      %dma_start3A_128 = tpu.memref_slice %arg15[%dma_start3A_121] : memref<2x!tpu.dma_semaphore, #tpu.memory_space<semaphore_mem>> -> memref<1x!tpu.dma_semaphore, #tpu.memory_space<semaphore_mem>>
      %dma_start3A_129 = tpu.memref_squeeze %dma_start3A_128 : memref<1x!tpu.dma_semaphore, #tpu.memory_space<semaphore_mem>> -> memref<!tpu.dma_semaphore, #tpu.memory_space<semaphore_mem>>
      tpu.enqueue_indirect_dma source(%arg11 : memref<128x16xf32, #tpu.memory_space<vmem>>) target(%dma_start3A_127 : memref<10240x16xf32, #tpu.memory_space<vmem_shared>>) offsets(%dma_start3A_124 : memref<128xi32, #tpu.memory_space<vmem>>) semaphore(%dma_start3A_129 : memref<!tpu.dma_semaphore, #tpu.memory_space<semaphore_mem>>) {add = true}
      %run_scoped3A_130 = arith.constant 0 : i32
      %run_scoped3A_131 = arith.constant 0 : i32
      %run_scoped3A_132 = arith.constant 1 : i32
      "tpu.region"() ({
        %run_scoped3A_229 = tpu.sem_alloc : memref<!tpu.dma_semaphore, #tpu.memory_space<semaphore_mem>>
        %dma_start3A_230 = arith.constant 0 : i32
        %dma_start3A_231 = arith.constant 0 : i32
        %dma_start3A_232 = tpu.memref_slice %arg10[%run_scoped3A_130, %dma_start3A_230, %dma_start3A_231] : memref<2x128x128xf32, #tpu.memory_space<vmem>> -> memref<1x128x128xf32, #tpu.memory_space<vmem>>
        %dma_start3A_233 = tpu.memref_squeeze %dma_start3A_232 : memref<1x128x128xf32, #tpu.memory_space<vmem>> -> memref<128x128xf32, #tpu.memory_space<vmem>>
        %dma_start3A_234 = arith.constant 0 : i32
        %dma_start3A_235 = tpu.memref_slice %arg9[%run_scoped3A_131, %run_scoped3A_132, %dma_start3A_234] : memref<2x2x128xi32, #tpu.memory_space<vmem>> -> memref<1x1x128xi32, #tpu.memory_space<vmem>>
        %dma_start3A_236 = tpu.memref_squeeze %dma_start3A_235 : memref<1x1x128xi32, #tpu.memory_space<vmem>> -> memref<128xi32, #tpu.memory_space<vmem>>
        %dma_start3A_237 = arith.constant 0 : i32
        %dma_start3A_238 = arith.constant 0 : i32
        %dma_start3A_239 = tpu.memref_slice %arg12[%dma_start3A_237, %dma_start3A_238] : memref<10240x128xf32, #tpu.memory_space<vmem_shared>> -> memref<10240x128xf32, #tpu.memory_space<vmem_shared>>
        tpu.enqueue_indirect_dma source(%dma_start3A_233 : memref<128x128xf32, #tpu.memory_space<vmem>>) target(%dma_start3A_239 : memref<10240x128xf32, #tpu.memory_space<vmem_shared>>) offsets(%dma_start3A_236 : memref<128xi32, #tpu.memory_space<vmem>>) semaphore(%run_scoped3A_229 : memref<!tpu.dma_semaphore, #tpu.memory_space<semaphore_mem>>) {add = true}
        %dma_wait3A_240 = arith.constant 0 : i32
        %dma_wait3A_241 = arith.constant 0 : i32
        %dma_wait3A_242 = tpu.memref_slice %arg10[%run_scoped3A_130, %dma_wait3A_240, %dma_wait3A_241] : memref<2x128x128xf32, #tpu.memory_space<vmem>> -> memref<1x128x128xf32, #tpu.memory_space<vmem>>
        %dma_wait3A_243 = tpu.memref_squeeze %dma_wait3A_242 : memref<1x128x128xf32, #tpu.memory_space<vmem>> -> memref<128x128xf32, #tpu.memory_space<vmem>>
        %dma_wait3A_244 = arith.constant 0 : i32
        %dma_wait3A_245 = tpu.memref_slice %arg9[%run_scoped3A_131, %run_scoped3A_132, %dma_wait3A_244] : memref<2x2x128xi32, #tpu.memory_space<vmem>> -> memref<1x1x128xi32, #tpu.memory_space<vmem>>
        %dma_wait3A_246 = tpu.memref_squeeze %dma_wait3A_245 : memref<1x1x128xi32, #tpu.memory_space<vmem>> -> memref<128xi32, #tpu.memory_space<vmem>>
        %dma_wait3A_247 = arith.constant 0 : i32
        %dma_wait3A_248 = arith.constant 0 : i32
        %dma_wait3A_249 = tpu.memref_slice %arg12[%dma_wait3A_247, %dma_wait3A_248] : memref<10240x128xf32, #tpu.memory_space<vmem_shared>> -> memref<10240x128xf32, #tpu.memory_space<vmem_shared>>
        tpu.wait_indirect_dma semaphore(%run_scoped3A_229 : memref<!tpu.dma_semaphore, #tpu.memory_space<semaphore_mem>>) src(%dma_wait3A_243 : memref<128x128xf32, #tpu.memory_space<vmem>>) dst(%dma_wait3A_249 : memref<10240x128xf32, #tpu.memory_space<vmem_shared>>)
        tpu.yield
      }) : () -> ()
      %dma_wait3A_133 = arith.constant 0 : i32
      %dma_wait3A_134 = arith.constant 1 : i32
      %dma_wait3A_135 = arith.constant 0 : i32
      %dma_wait3A_136 = arith.constant 0 : i32
      %dma_wait3A_137 = tpu.memref_slice %arg9[%dma_wait3A_133, %dma_wait3A_134, %dma_wait3A_136] : memref<2x2x128xi32, #tpu.memory_space<vmem>> -> memref<1x1x128xi32, #tpu.memory_space<vmem>>
      %dma_wait3A_138 = tpu.memref_squeeze %dma_wait3A_137 : memref<1x1x128xi32, #tpu.memory_space<vmem>> -> memref<128xi32, #tpu.memory_space<vmem>>
      %dma_wait3A_139 = arith.constant 0 : i32
      %dma_wait3A_140 = arith.constant 0 : i32
      %dma_wait3A_141 = tpu.memref_slice %arg13[%dma_wait3A_139, %dma_wait3A_140] : memref<10240x16xf32, #tpu.memory_space<vmem_shared>> -> memref<10240x16xf32, #tpu.memory_space<vmem_shared>>
      %dma_wait3A_142 = tpu.memref_slice %arg15[%dma_wait3A_135] : memref<2x!tpu.dma_semaphore, #tpu.memory_space<semaphore_mem>> -> memref<1x!tpu.dma_semaphore, #tpu.memory_space<semaphore_mem>>
      %dma_wait3A_143 = tpu.memref_squeeze %dma_wait3A_142 : memref<1x!tpu.dma_semaphore, #tpu.memory_space<semaphore_mem>> -> memref<!tpu.dma_semaphore, #tpu.memory_space<semaphore_mem>>
      tpu.wait_indirect_dma semaphore(%dma_wait3A_143 : memref<!tpu.dma_semaphore, #tpu.memory_space<semaphore_mem>>) src(%arg11 : memref<128x16xf32, #tpu.memory_space<vmem>>) dst(%dma_wait3A_141 : memref<10240x16xf32, #tpu.memory_space<vmem_shared>>)
      %add3A_144 = arith.constant 2 : i32
      %add3A_145 = arith.addi %add3A_102, %add3A_144 : i32
      %add3A_146 = arith.addi %mul3A_2, %add3A_145 : i32
      %run_scoped3A_147 = arith.constant 0 : i32
      "tpu.region"() ({
        %run_scoped3A_229 = tpu.sem_alloc : memref<!tpu.dma_semaphore, #tpu.memory_space<semaphore_mem>>
        %dma_start3A_230 = arith.constant 0 : i32
        %dma_start3A_231 = arith.constant 0 : i32
        %dma_start3A_232 = tpu.memref_slice %arg9[%run_scoped3A_147, %dma_start3A_230, %dma_start3A_231] : memref<2x2x128xi32, #tpu.memory_space<vmem>> -> memref<1x2x128xi32, #tpu.memory_space<vmem>>
        %dma_start3A_233 = tpu.memref_squeeze %dma_start3A_232 : memref<1x2x128xi32, #tpu.memory_space<vmem>> -> memref<2x128xi32, #tpu.memory_space<vmem>>
        %dma_start3A_234 = arith.constant 0 : i32
        %dma_start3A_235 = arith.constant 0 : i32
        %dma_start3A_236 = tpu.memref_slice %arg3[%add3A_146, %dma_start3A_234, %dma_start3A_235] : memref<2562x2x128xi32, #tpu.memory_space<hbm>> -> memref<1x2x128xi32, #tpu.memory_space<hbm>>
        %dma_start3A_237 = tpu.memref_squeeze %dma_start3A_236 : memref<1x2x128xi32, #tpu.memory_space<hbm>> -> memref<2x128xi32, #tpu.memory_space<hbm>>
        %dma_start3A_238 = arith.constant 0 : i32
        %dma_start3A_239 = arith.constant 0 : i32
        %dma_start3A_240 = tpu.memref_slice %arg9[%run_scoped3A_147, %dma_start3A_238, %dma_start3A_239] : memref<2x2x128xi32, #tpu.memory_space<vmem>> -> memref<1x2x128xi32, #tpu.memory_space<vmem>>
        %dma_start3A_241 = tpu.memref_squeeze %dma_start3A_240 : memref<1x2x128xi32, #tpu.memory_space<vmem>> -> memref<2x128xi32, #tpu.memory_space<vmem>>
        %dma_start3A_242 = arith.constant 0 : i32
        %dma_start3A_243 = arith.constant 0 : i32
        %dma_start3A_244 = tpu.memref_slice %arg3[%add3A_146, %dma_start3A_242, %dma_start3A_243] : memref<2562x2x128xi32, #tpu.memory_space<hbm>> -> memref<1x2x128xi32, #tpu.memory_space<hbm>>
        %dma_start3A_245 = tpu.memref_squeeze %dma_start3A_244 : memref<1x2x128xi32, #tpu.memory_space<hbm>> -> memref<2x128xi32, #tpu.memory_space<hbm>>
        tpu.enqueue_dma source(%dma_start3A_245 : memref<2x128xi32, #tpu.memory_space<hbm>>) target(%dma_start3A_241 : memref<2x128xi32, #tpu.memory_space<vmem>>) target_semaphore(%run_scoped3A_229 : memref<!tpu.dma_semaphore, #tpu.memory_space<semaphore_mem>>)
        %dma_wait3A_246 = arith.constant 0 : i32
        %dma_wait3A_247 = arith.constant 0 : i32
        %dma_wait3A_248 = tpu.memref_slice %arg9[%run_scoped3A_147, %dma_wait3A_246, %dma_wait3A_247] : memref<2x2x128xi32, #tpu.memory_space<vmem>> -> memref<1x2x128xi32, #tpu.memory_space<vmem>>
        %dma_wait3A_249 = tpu.memref_squeeze %dma_wait3A_248 : memref<1x2x128xi32, #tpu.memory_space<vmem>> -> memref<2x128xi32, #tpu.memory_space<vmem>>
        %dma_wait3A_250 = arith.constant 0 : i32
        %dma_wait3A_251 = arith.constant 0 : i32
        %dma_wait3A_252 = tpu.memref_slice %arg3[%add3A_146, %dma_wait3A_250, %dma_wait3A_251] : memref<2562x2x128xi32, #tpu.memory_space<hbm>> -> memref<1x2x128xi32, #tpu.memory_space<hbm>>
        %dma_wait3A_253 = tpu.memref_squeeze %dma_wait3A_252 : memref<1x2x128xi32, #tpu.memory_space<hbm>> -> memref<2x128xi32, #tpu.memory_space<hbm>>
        %dma_wait3A_254 = arith.constant 0 : i32
        %dma_wait3A_255 = arith.constant 0 : i32
        %dma_wait3A_256 = tpu.memref_slice %arg9[%run_scoped3A_147, %dma_wait3A_254, %dma_wait3A_255] : memref<2x2x128xi32, #tpu.memory_space<vmem>> -> memref<1x2x128xi32, #tpu.memory_space<vmem>>
        %dma_wait3A_257 = tpu.memref_squeeze %dma_wait3A_256 : memref<1x2x128xi32, #tpu.memory_space<vmem>> -> memref<2x128xi32, #tpu.memory_space<vmem>>
        %dma_wait3A_258 = arith.constant 0 : i32
        %dma_wait3A_259 = arith.constant 0 : i32
        %dma_wait3A_260 = tpu.memref_slice %arg3[%add3A_146, %dma_wait3A_258, %dma_wait3A_259] : memref<2562x2x128xi32, #tpu.memory_space<hbm>> -> memref<1x2x128xi32, #tpu.memory_space<hbm>>
        %dma_wait3A_261 = tpu.memref_squeeze %dma_wait3A_260 : memref<1x2x128xi32, #tpu.memory_space<hbm>> -> memref<2x128xi32, #tpu.memory_space<hbm>>
        tpu.wait_dma2 semaphore(%run_scoped3A_229 : memref<!tpu.dma_semaphore, #tpu.memory_space<semaphore_mem>>) src(%dma_wait3A_261 : memref<2x128xi32, #tpu.memory_space<hbm>>) dst(%dma_wait3A_257 : memref<2x128xi32, #tpu.memory_space<vmem>>)
        tpu.yield
      }) : () -> ()
      %dma_start3A_148 = arith.constant 0 : i32
      %dma_start3A_149 = arith.constant 0 : i32
      %dma_start3A_150 = arith.constant 0 : i32
      %dma_start3A_151 = arith.constant 0 : i32
      %dma_start3A_152 = arith.constant 0 : i32
      %dma_start3A_153 = arith.constant 0 : i32
      %dma_start3A_154 = tpu.memref_slice %arg10[%dma_start3A_150, %dma_start3A_152, %dma_start3A_153] : memref<2x128x128xf32, #tpu.memory_space<vmem>> -> memref<1x128x128xf32, #tpu.memory_space<vmem>>
      %dma_start3A_155 = tpu.memref_squeeze %dma_start3A_154 : memref<1x128x128xf32, #tpu.memory_space<vmem>> -> memref<128x128xf32, #tpu.memory_space<vmem>>
      %dma_start3A_156 = arith.constant 0 : i32
      %dma_start3A_157 = tpu.memref_slice %arg9[%dma_start3A_148, %dma_start3A_149, %dma_start3A_156] : memref<2x2x128xi32, #tpu.memory_space<vmem>> -> memref<1x1x128xi32, #tpu.memory_space<vmem>>
      %dma_start3A_158 = tpu.memref_squeeze %dma_start3A_157 : memref<1x1x128xi32, #tpu.memory_space<vmem>> -> memref<128xi32, #tpu.memory_space<vmem>>
      %dma_start3A_159 = arith.constant 0 : i32
      %dma_start3A_160 = arith.constant 0 : i32
      %dma_start3A_161 = tpu.memref_slice %arg2[%dma_start3A_159, %dma_start3A_160] : memref<10240x128xf32, #tpu.memory_space<hbm>> -> memref<10240x128xf32, #tpu.memory_space<hbm>>
      %dma_start3A_162 = tpu.memref_slice %arg14[%dma_start3A_151] : memref<2x!tpu.dma_semaphore, #tpu.memory_space<semaphore_mem>> -> memref<1x!tpu.dma_semaphore, #tpu.memory_space<semaphore_mem>>
      %dma_start3A_163 = tpu.memref_squeeze %dma_start3A_162 : memref<1x!tpu.dma_semaphore, #tpu.memory_space<semaphore_mem>> -> memref<!tpu.dma_semaphore, #tpu.memory_space<semaphore_mem>>
      tpu.enqueue_indirect_dma source(%dma_start3A_161 : memref<10240x128xf32, #tpu.memory_space<hbm>>) target(%dma_start3A_155 : memref<128x128xf32, #tpu.memory_space<vmem>>) offsets(%dma_start3A_158 : memref<128xi32, #tpu.memory_space<vmem>>) semaphore(%dma_start3A_163 : memref<!tpu.dma_semaphore, #tpu.memory_space<semaphore_mem>>)
      %mul3A_164 = arith.constant 2 : i32
      %mul3A_165 = arith.muli %scan3A_98, %mul3A_164 : i32
      %add3A_166 = arith.constant 1 : i32
      %add3A_167 = arith.addi %mul3A_165, %add3A_166 : i32
      %dma_wait3A_168 = arith.constant 1 : i32
      %dma_wait3A_169 = arith.constant 0 : i32
      %dma_wait3A_170 = arith.constant 1 : i32
      %dma_wait3A_171 = arith.constant 1 : i32
      %dma_wait3A_172 = arith.constant 0 : i32
      %dma_wait3A_173 = arith.constant 0 : i32
      %dma_wait3A_174 = tpu.memref_slice %arg10[%dma_wait3A_170, %dma_wait3A_172, %dma_wait3A_173] : memref<2x128x128xf32, #tpu.memory_space<vmem>> -> memref<1x128x128xf32, #tpu.memory_space<vmem>>
      %dma_wait3A_175 = tpu.memref_squeeze %dma_wait3A_174 : memref<1x128x128xf32, #tpu.memory_space<vmem>> -> memref<128x128xf32, #tpu.memory_space<vmem>>
      %dma_wait3A_176 = arith.constant 0 : i32
      %dma_wait3A_177 = tpu.memref_slice %arg9[%dma_wait3A_168, %dma_wait3A_169, %dma_wait3A_176] : memref<2x2x128xi32, #tpu.memory_space<vmem>> -> memref<1x1x128xi32, #tpu.memory_space<vmem>>
      %dma_wait3A_178 = tpu.memref_squeeze %dma_wait3A_177 : memref<1x1x128xi32, #tpu.memory_space<vmem>> -> memref<128xi32, #tpu.memory_space<vmem>>
      %dma_wait3A_179 = arith.constant 0 : i32
      %dma_wait3A_180 = arith.constant 0 : i32
      %dma_wait3A_181 = tpu.memref_slice %arg2[%dma_wait3A_179, %dma_wait3A_180] : memref<10240x128xf32, #tpu.memory_space<hbm>> -> memref<10240x128xf32, #tpu.memory_space<hbm>>
      %dma_wait3A_182 = tpu.memref_slice %arg14[%dma_wait3A_171] : memref<2x!tpu.dma_semaphore, #tpu.memory_space<semaphore_mem>> -> memref<1x!tpu.dma_semaphore, #tpu.memory_space<semaphore_mem>>
      %dma_wait3A_183 = tpu.memref_squeeze %dma_wait3A_182 : memref<1x!tpu.dma_semaphore, #tpu.memory_space<semaphore_mem>> -> memref<!tpu.dma_semaphore, #tpu.memory_space<semaphore_mem>>
      tpu.wait_indirect_dma semaphore(%dma_wait3A_183 : memref<!tpu.dma_semaphore, #tpu.memory_space<semaphore_mem>>) src(%dma_wait3A_181 : memref<10240x128xf32, #tpu.memory_space<hbm>>) dst(%dma_wait3A_175 : memref<128x128xf32, #tpu.memory_space<vmem>>)
      %dma_start3A_184 = arith.constant 1 : i32
      %dma_start3A_185 = arith.constant 1 : i32
      %dma_start3A_186 = arith.constant 1 : i32
      %dma_start3A_187 = arith.constant 0 : i32
      %dma_start3A_188 = tpu.memref_slice %arg9[%dma_start3A_184, %dma_start3A_185, %dma_start3A_187] : memref<2x2x128xi32, #tpu.memory_space<vmem>> -> memref<1x1x128xi32, #tpu.memory_space<vmem>>
      %dma_start3A_189 = tpu.memref_squeeze %dma_start3A_188 : memref<1x1x128xi32, #tpu.memory_space<vmem>> -> memref<128xi32, #tpu.memory_space<vmem>>
      %dma_start3A_190 = arith.constant 0 : i32
      %dma_start3A_191 = arith.constant 0 : i32
      %dma_start3A_192 = tpu.memref_slice %arg13[%dma_start3A_190, %dma_start3A_191] : memref<10240x16xf32, #tpu.memory_space<vmem_shared>> -> memref<10240x16xf32, #tpu.memory_space<vmem_shared>>
      %dma_start3A_193 = tpu.memref_slice %arg15[%dma_start3A_186] : memref<2x!tpu.dma_semaphore, #tpu.memory_space<semaphore_mem>> -> memref<1x!tpu.dma_semaphore, #tpu.memory_space<semaphore_mem>>
      %dma_start3A_194 = tpu.memref_squeeze %dma_start3A_193 : memref<1x!tpu.dma_semaphore, #tpu.memory_space<semaphore_mem>> -> memref<!tpu.dma_semaphore, #tpu.memory_space<semaphore_mem>>
      tpu.enqueue_indirect_dma source(%arg11 : memref<128x16xf32, #tpu.memory_space<vmem>>) target(%dma_start3A_192 : memref<10240x16xf32, #tpu.memory_space<vmem_shared>>) offsets(%dma_start3A_189 : memref<128xi32, #tpu.memory_space<vmem>>) semaphore(%dma_start3A_194 : memref<!tpu.dma_semaphore, #tpu.memory_space<semaphore_mem>>) {add = true}
      %run_scoped3A_195 = arith.constant 1 : i32
      %run_scoped3A_196 = arith.constant 1 : i32
      %run_scoped3A_197 = arith.constant 1 : i32
      "tpu.region"() ({
        %run_scoped3A_229 = tpu.sem_alloc : memref<!tpu.dma_semaphore, #tpu.memory_space<semaphore_mem>>
        %dma_start3A_230 = arith.constant 0 : i32
        %dma_start3A_231 = arith.constant 0 : i32
        %dma_start3A_232 = tpu.memref_slice %arg10[%run_scoped3A_195, %dma_start3A_230, %dma_start3A_231] : memref<2x128x128xf32, #tpu.memory_space<vmem>> -> memref<1x128x128xf32, #tpu.memory_space<vmem>>
        %dma_start3A_233 = tpu.memref_squeeze %dma_start3A_232 : memref<1x128x128xf32, #tpu.memory_space<vmem>> -> memref<128x128xf32, #tpu.memory_space<vmem>>
        %dma_start3A_234 = arith.constant 0 : i32
        %dma_start3A_235 = tpu.memref_slice %arg9[%run_scoped3A_196, %run_scoped3A_197, %dma_start3A_234] : memref<2x2x128xi32, #tpu.memory_space<vmem>> -> memref<1x1x128xi32, #tpu.memory_space<vmem>>
        %dma_start3A_236 = tpu.memref_squeeze %dma_start3A_235 : memref<1x1x128xi32, #tpu.memory_space<vmem>> -> memref<128xi32, #tpu.memory_space<vmem>>
        %dma_start3A_237 = arith.constant 0 : i32
        %dma_start3A_238 = arith.constant 0 : i32
        %dma_start3A_239 = tpu.memref_slice %arg12[%dma_start3A_237, %dma_start3A_238] : memref<10240x128xf32, #tpu.memory_space<vmem_shared>> -> memref<10240x128xf32, #tpu.memory_space<vmem_shared>>
        tpu.enqueue_indirect_dma source(%dma_start3A_233 : memref<128x128xf32, #tpu.memory_space<vmem>>) target(%dma_start3A_239 : memref<10240x128xf32, #tpu.memory_space<vmem_shared>>) offsets(%dma_start3A_236 : memref<128xi32, #tpu.memory_space<vmem>>) semaphore(%run_scoped3A_229 : memref<!tpu.dma_semaphore, #tpu.memory_space<semaphore_mem>>) {add = true}
        %dma_wait3A_240 = arith.constant 0 : i32
        %dma_wait3A_241 = arith.constant 0 : i32
        %dma_wait3A_242 = tpu.memref_slice %arg10[%run_scoped3A_195, %dma_wait3A_240, %dma_wait3A_241] : memref<2x128x128xf32, #tpu.memory_space<vmem>> -> memref<1x128x128xf32, #tpu.memory_space<vmem>>
        %dma_wait3A_243 = tpu.memref_squeeze %dma_wait3A_242 : memref<1x128x128xf32, #tpu.memory_space<vmem>> -> memref<128x128xf32, #tpu.memory_space<vmem>>
        %dma_wait3A_244 = arith.constant 0 : i32
        %dma_wait3A_245 = tpu.memref_slice %arg9[%run_scoped3A_196, %run_scoped3A_197, %dma_wait3A_244] : memref<2x2x128xi32, #tpu.memory_space<vmem>> -> memref<1x1x128xi32, #tpu.memory_space<vmem>>
        %dma_wait3A_246 = tpu.memref_squeeze %dma_wait3A_245 : memref<1x1x128xi32, #tpu.memory_space<vmem>> -> memref<128xi32, #tpu.memory_space<vmem>>
        %dma_wait3A_247 = arith.constant 0 : i32
        %dma_wait3A_248 = arith.constant 0 : i32
        %dma_wait3A_249 = tpu.memref_slice %arg12[%dma_wait3A_247, %dma_wait3A_248] : memref<10240x128xf32, #tpu.memory_space<vmem_shared>> -> memref<10240x128xf32, #tpu.memory_space<vmem_shared>>
        tpu.wait_indirect_dma semaphore(%run_scoped3A_229 : memref<!tpu.dma_semaphore, #tpu.memory_space<semaphore_mem>>) src(%dma_wait3A_243 : memref<128x128xf32, #tpu.memory_space<vmem>>) dst(%dma_wait3A_249 : memref<10240x128xf32, #tpu.memory_space<vmem_shared>>)
        tpu.yield
      }) : () -> ()
      %dma_wait3A_198 = arith.constant 1 : i32
      %dma_wait3A_199 = arith.constant 1 : i32
      %dma_wait3A_200 = arith.constant 1 : i32
      %dma_wait3A_201 = arith.constant 0 : i32
      %dma_wait3A_202 = tpu.memref_slice %arg9[%dma_wait3A_198, %dma_wait3A_199, %dma_wait3A_201] : memref<2x2x128xi32, #tpu.memory_space<vmem>> -> memref<1x1x128xi32, #tpu.memory_space<vmem>>
      %dma_wait3A_203 = tpu.memref_squeeze %dma_wait3A_202 : memref<1x1x128xi32, #tpu.memory_space<vmem>> -> memref<128xi32, #tpu.memory_space<vmem>>
      %dma_wait3A_204 = arith.constant 0 : i32
      %dma_wait3A_205 = arith.constant 0 : i32
      %dma_wait3A_206 = tpu.memref_slice %arg13[%dma_wait3A_204, %dma_wait3A_205] : memref<10240x16xf32, #tpu.memory_space<vmem_shared>> -> memref<10240x16xf32, #tpu.memory_space<vmem_shared>>
      %dma_wait3A_207 = tpu.memref_slice %arg15[%dma_wait3A_200] : memref<2x!tpu.dma_semaphore, #tpu.memory_space<semaphore_mem>> -> memref<1x!tpu.dma_semaphore, #tpu.memory_space<semaphore_mem>>
      %dma_wait3A_208 = tpu.memref_squeeze %dma_wait3A_207 : memref<1x!tpu.dma_semaphore, #tpu.memory_space<semaphore_mem>> -> memref<!tpu.dma_semaphore, #tpu.memory_space<semaphore_mem>>
      tpu.wait_indirect_dma semaphore(%dma_wait3A_208 : memref<!tpu.dma_semaphore, #tpu.memory_space<semaphore_mem>>) src(%arg11 : memref<128x16xf32, #tpu.memory_space<vmem>>) dst(%dma_wait3A_206 : memref<10240x16xf32, #tpu.memory_space<vmem_shared>>)
      %add3A_209 = arith.constant 2 : i32
      %add3A_210 = arith.addi %add3A_167, %add3A_209 : i32
      %add3A_211 = arith.addi %mul3A_2, %add3A_210 : i32
      %run_scoped3A_212 = arith.constant 1 : i32
      "tpu.region"() ({
        %run_scoped3A_229 = tpu.sem_alloc : memref<!tpu.dma_semaphore, #tpu.memory_space<semaphore_mem>>
        %dma_start3A_230 = arith.constant 0 : i32
        %dma_start3A_231 = arith.constant 0 : i32
        %dma_start3A_232 = tpu.memref_slice %arg9[%run_scoped3A_212, %dma_start3A_230, %dma_start3A_231] : memref<2x2x128xi32, #tpu.memory_space<vmem>> -> memref<1x2x128xi32, #tpu.memory_space<vmem>>
        %dma_start3A_233 = tpu.memref_squeeze %dma_start3A_232 : memref<1x2x128xi32, #tpu.memory_space<vmem>> -> memref<2x128xi32, #tpu.memory_space<vmem>>
        %dma_start3A_234 = arith.constant 0 : i32
        %dma_start3A_235 = arith.constant 0 : i32
        %dma_start3A_236 = tpu.memref_slice %arg3[%add3A_211, %dma_start3A_234, %dma_start3A_235] : memref<2562x2x128xi32, #tpu.memory_space<hbm>> -> memref<1x2x128xi32, #tpu.memory_space<hbm>>
        %dma_start3A_237 = tpu.memref_squeeze %dma_start3A_236 : memref<1x2x128xi32, #tpu.memory_space<hbm>> -> memref<2x128xi32, #tpu.memory_space<hbm>>
        %dma_start3A_238 = arith.constant 0 : i32
        %dma_start3A_239 = arith.constant 0 : i32
        %dma_start3A_240 = tpu.memref_slice %arg9[%run_scoped3A_212, %dma_start3A_238, %dma_start3A_239] : memref<2x2x128xi32, #tpu.memory_space<vmem>> -> memref<1x2x128xi32, #tpu.memory_space<vmem>>
        %dma_start3A_241 = tpu.memref_squeeze %dma_start3A_240 : memref<1x2x128xi32, #tpu.memory_space<vmem>> -> memref<2x128xi32, #tpu.memory_space<vmem>>
        %dma_start3A_242 = arith.constant 0 : i32
        %dma_start3A_243 = arith.constant 0 : i32
        %dma_start3A_244 = tpu.memref_slice %arg3[%add3A_211, %dma_start3A_242, %dma_start3A_243] : memref<2562x2x128xi32, #tpu.memory_space<hbm>> -> memref<1x2x128xi32, #tpu.memory_space<hbm>>
        %dma_start3A_245 = tpu.memref_squeeze %dma_start3A_244 : memref<1x2x128xi32, #tpu.memory_space<hbm>> -> memref<2x128xi32, #tpu.memory_space<hbm>>
        tpu.enqueue_dma source(%dma_start3A_245 : memref<2x128xi32, #tpu.memory_space<hbm>>) target(%dma_start3A_241 : memref<2x128xi32, #tpu.memory_space<vmem>>) target_semaphore(%run_scoped3A_229 : memref<!tpu.dma_semaphore, #tpu.memory_space<semaphore_mem>>)
        %dma_wait3A_246 = arith.constant 0 : i32
        %dma_wait3A_247 = arith.constant 0 : i32
        %dma_wait3A_248 = tpu.memref_slice %arg9[%run_scoped3A_212, %dma_wait3A_246, %dma_wait3A_247] : memref<2x2x128xi32, #tpu.memory_space<vmem>> -> memref<1x2x128xi32, #tpu.memory_space<vmem>>
        %dma_wait3A_249 = tpu.memref_squeeze %dma_wait3A_248 : memref<1x2x128xi32, #tpu.memory_space<vmem>> -> memref<2x128xi32, #tpu.memory_space<vmem>>
        %dma_wait3A_250 = arith.constant 0 : i32
        %dma_wait3A_251 = arith.constant 0 : i32
        %dma_wait3A_252 = tpu.memref_slice %arg3[%add3A_211, %dma_wait3A_250, %dma_wait3A_251] : memref<2562x2x128xi32, #tpu.memory_space<hbm>> -> memref<1x2x128xi32, #tpu.memory_space<hbm>>
        %dma_wait3A_253 = tpu.memref_squeeze %dma_wait3A_252 : memref<1x2x128xi32, #tpu.memory_space<hbm>> -> memref<2x128xi32, #tpu.memory_space<hbm>>
        %dma_wait3A_254 = arith.constant 0 : i32
        %dma_wait3A_255 = arith.constant 0 : i32
        %dma_wait3A_256 = tpu.memref_slice %arg9[%run_scoped3A_212, %dma_wait3A_254, %dma_wait3A_255] : memref<2x2x128xi32, #tpu.memory_space<vmem>> -> memref<1x2x128xi32, #tpu.memory_space<vmem>>
        %dma_wait3A_257 = tpu.memref_squeeze %dma_wait3A_256 : memref<1x2x128xi32, #tpu.memory_space<vmem>> -> memref<2x128xi32, #tpu.memory_space<vmem>>
        %dma_wait3A_258 = arith.constant 0 : i32
        %dma_wait3A_259 = arith.constant 0 : i32
        %dma_wait3A_260 = tpu.memref_slice %arg3[%add3A_211, %dma_wait3A_258, %dma_wait3A_259] : memref<2562x2x128xi32, #tpu.memory_space<hbm>> -> memref<1x2x128xi32, #tpu.memory_space<hbm>>
        %dma_wait3A_261 = tpu.memref_squeeze %dma_wait3A_260 : memref<1x2x128xi32, #tpu.memory_space<hbm>> -> memref<2x128xi32, #tpu.memory_space<hbm>>
        tpu.wait_dma2 semaphore(%run_scoped3A_229 : memref<!tpu.dma_semaphore, #tpu.memory_space<semaphore_mem>>) src(%dma_wait3A_261 : memref<2x128xi32, #tpu.memory_space<hbm>>) dst(%dma_wait3A_257 : memref<2x128xi32, #tpu.memory_space<vmem>>)
        tpu.yield
      }) : () -> ()
      %dma_start3A_213 = arith.constant 1 : i32
      %dma_start3A_214 = arith.constant 0 : i32
      %dma_start3A_215 = arith.constant 1 : i32
      %dma_start3A_216 = arith.constant 1 : i32
      %dma_start3A_217 = arith.constant 0 : i32
      %dma_start3A_218 = arith.constant 0 : i32
      %dma_start3A_219 = tpu.memref_slice %arg10[%dma_start3A_215, %dma_start3A_217, %dma_start3A_218] : memref<2x128x128xf32, #tpu.memory_space<vmem>> -> memref<1x128x128xf32, #tpu.memory_space<vmem>>
      %dma_start3A_220 = tpu.memref_squeeze %dma_start3A_219 : memref<1x128x128xf32, #tpu.memory_space<vmem>> -> memref<128x128xf32, #tpu.memory_space<vmem>>
      %dma_start3A_221 = arith.constant 0 : i32
      %dma_start3A_222 = tpu.memref_slice %arg9[%dma_start3A_213, %dma_start3A_214, %dma_start3A_221] : memref<2x2x128xi32, #tpu.memory_space<vmem>> -> memref<1x1x128xi32, #tpu.memory_space<vmem>>
      %dma_start3A_223 = tpu.memref_squeeze %dma_start3A_222 : memref<1x1x128xi32, #tpu.memory_space<vmem>> -> memref<128xi32, #tpu.memory_space<vmem>>
      %dma_start3A_224 = arith.constant 0 : i32
      %dma_start3A_225 = arith.constant 0 : i32
      %dma_start3A_226 = tpu.memref_slice %arg2[%dma_start3A_224, %dma_start3A_225] : memref<10240x128xf32, #tpu.memory_space<hbm>> -> memref<10240x128xf32, #tpu.memory_space<hbm>>
      %dma_start3A_227 = tpu.memref_slice %arg14[%dma_start3A_216] : memref<2x!tpu.dma_semaphore, #tpu.memory_space<semaphore_mem>> -> memref<1x!tpu.dma_semaphore, #tpu.memory_space<semaphore_mem>>
      %dma_start3A_228 = tpu.memref_squeeze %dma_start3A_227 : memref<1x!tpu.dma_semaphore, #tpu.memory_space<semaphore_mem>> -> memref<!tpu.dma_semaphore, #tpu.memory_space<semaphore_mem>>
      tpu.enqueue_indirect_dma source(%dma_start3A_226 : memref<10240x128xf32, #tpu.memory_space<hbm>>) target(%dma_start3A_220 : memref<128x128xf32, #tpu.memory_space<vmem>>) offsets(%dma_start3A_223 : memref<128xi32, #tpu.memory_space<vmem>>) semaphore(%dma_start3A_228 : memref<!tpu.dma_semaphore, #tpu.memory_space<semaphore_mem>>)
    }
    %scan3A_55 = arith.constant 40 : i32
    %dma_wait3A = arith.constant 0 : i32
    %dma_wait3A_56 = arith.constant 0 : i32
    %dma_wait3A_57 = arith.constant 0 : i32
    %dma_wait3A_58 = arith.constant 0 : i32
    %dma_wait3A_59 = arith.constant 0 : i32
    %dma_wait3A_60 = arith.constant 0 : i32
    %dma_wait3A_61 = tpu.memref_slice %arg10[%dma_wait3A_57, %dma_wait3A_59, %dma_wait3A_60] : memref<2x128x128xf32, #tpu.memory_space<vmem>> -> memref<1x128x128xf32, #tpu.memory_space<vmem>>
    %dma_wait3A_62 = tpu.memref_squeeze %dma_wait3A_61 : memref<1x128x128xf32, #tpu.memory_space<vmem>> -> memref<128x128xf32, #tpu.memory_space<vmem>>
    %dma_wait3A_63 = arith.constant 0 : i32
    %dma_wait3A_64 = tpu.memref_slice %arg9[%dma_wait3A, %dma_wait3A_56, %dma_wait3A_63] : memref<2x2x128xi32, #tpu.memory_space<vmem>> -> memref<1x1x128xi32, #tpu.memory_space<vmem>>
    %dma_wait3A_65 = tpu.memref_squeeze %dma_wait3A_64 : memref<1x1x128xi32, #tpu.memory_space<vmem>> -> memref<128xi32, #tpu.memory_space<vmem>>
    %dma_wait3A_66 = arith.constant 0 : i32
    %dma_wait3A_67 = arith.constant 0 : i32
    %dma_wait3A_68 = tpu.memref_slice %arg2[%dma_wait3A_66, %dma_wait3A_67] : memref<10240x128xf32, #tpu.memory_space<hbm>> -> memref<10240x128xf32, #tpu.memory_space<hbm>>
    %dma_wait3A_69 = tpu.memref_slice %arg14[%dma_wait3A_58] : memref<2x!tpu.dma_semaphore, #tpu.memory_space<semaphore_mem>> -> memref<1x!tpu.dma_semaphore, #tpu.memory_space<semaphore_mem>>
    %dma_wait3A_70 = tpu.memref_squeeze %dma_wait3A_69 : memref<1x!tpu.dma_semaphore, #tpu.memory_space<semaphore_mem>> -> memref<!tpu.dma_semaphore, #tpu.memory_space<semaphore_mem>>
    tpu.wait_indirect_dma semaphore(%dma_wait3A_70 : memref<!tpu.dma_semaphore, #tpu.memory_space<semaphore_mem>>) src(%dma_wait3A_68 : memref<10240x128xf32, #tpu.memory_space<hbm>>) dst(%dma_wait3A_62 : memref<128x128xf32, #tpu.memory_space<vmem>>)
    %dma_wait3A_71 = arith.constant 1 : i32
    %dma_wait3A_72 = arith.constant 0 : i32
    %dma_wait3A_73 = arith.constant 1 : i32
    %dma_wait3A_74 = arith.constant 1 : i32
    %dma_wait3A_75 = arith.constant 0 : i32
    %dma_wait3A_76 = arith.constant 0 : i32
    %dma_wait3A_77 = tpu.memref_slice %arg10[%dma_wait3A_73, %dma_wait3A_75, %dma_wait3A_76] : memref<2x128x128xf32, #tpu.memory_space<vmem>> -> memref<1x128x128xf32, #tpu.memory_space<vmem>>
    %dma_wait3A_78 = tpu.memref_squeeze %dma_wait3A_77 : memref<1x128x128xf32, #tpu.memory_space<vmem>> -> memref<128x128xf32, #tpu.memory_space<vmem>>
    %dma_wait3A_79 = arith.constant 0 : i32
    %dma_wait3A_80 = tpu.memref_slice %arg9[%dma_wait3A_71, %dma_wait3A_72, %dma_wait3A_79] : memref<2x2x128xi32, #tpu.memory_space<vmem>> -> memref<1x1x128xi32, #tpu.memory_space<vmem>>
    %dma_wait3A_81 = tpu.memref_squeeze %dma_wait3A_80 : memref<1x1x128xi32, #tpu.memory_space<vmem>> -> memref<128xi32, #tpu.memory_space<vmem>>
    %dma_wait3A_82 = arith.constant 0 : i32
    %dma_wait3A_83 = arith.constant 0 : i32
    %dma_wait3A_84 = tpu.memref_slice %arg2[%dma_wait3A_82, %dma_wait3A_83] : memref<10240x128xf32, #tpu.memory_space<hbm>> -> memref<10240x128xf32, #tpu.memory_space<hbm>>
    %dma_wait3A_85 = tpu.memref_slice %arg14[%dma_wait3A_74] : memref<2x!tpu.dma_semaphore, #tpu.memory_space<semaphore_mem>> -> memref<1x!tpu.dma_semaphore, #tpu.memory_space<semaphore_mem>>
    %dma_wait3A_86 = tpu.memref_squeeze %dma_wait3A_85 : memref<1x!tpu.dma_semaphore, #tpu.memory_space<semaphore_mem>> -> memref<!tpu.dma_semaphore, #tpu.memory_space<semaphore_mem>>
    tpu.wait_indirect_dma semaphore(%dma_wait3A_86 : memref<!tpu.dma_semaphore, #tpu.memory_space<semaphore_mem>>) src(%dma_wait3A_84 : memref<10240x128xf32, #tpu.memory_space<hbm>>) dst(%dma_wait3A_78 : memref<128x128xf32, #tpu.memory_space<vmem>>)
    %barrier3A_87 = arith.constant 0 : index
    tpu.barrier barrier_id(%barrier3A_87)
    %add3A_88 = arith.constant 0 : i32
    %add3A_89 = arith.addi %mul3A_40, %add3A_88 : i32
    "tpu.region"() ({
      %run_scoped3A_98 = tpu.sem_alloc : memref<!tpu.dma_semaphore, #tpu.memory_space<semaphore_mem>>
      %dma_start3A_99 = arith.constant 0 : i32
      %dma_start3A_100 = tpu.memref_slice %arg7[%arg0, %add3A_89, %dma_start3A_99] : memref<2x10240x128xf32, #tpu.memory_space<hbm>> -> memref<1x128x128xf32, #tpu.memory_space<hbm>>
      %dma_start3A_101 = tpu.memref_squeeze %dma_start3A_100 : memref<1x128x128xf32, #tpu.memory_space<hbm>> -> memref<128x128xf32, #tpu.memory_space<hbm>>
      %dma_start3A_102 = arith.constant 0 : i32
      %dma_start3A_103 = tpu.memref_slice %arg12[%add3A_89, %dma_start3A_102] : memref<10240x128xf32, #tpu.memory_space<vmem_shared>> -> memref<128x128xf32, #tpu.memory_space<vmem_shared>>
      tpu.enqueue_dma source(%dma_start3A_103 : memref<128x128xf32, #tpu.memory_space<vmem_shared>>) target(%dma_start3A_101 : memref<128x128xf32, #tpu.memory_space<hbm>>) target_semaphore(%run_scoped3A_98 : memref<!tpu.dma_semaphore, #tpu.memory_space<semaphore_mem>>)
      %dma_wait3A_104 = arith.constant 0 : i32
      %dma_wait3A_105 = tpu.memref_slice %arg7[%arg0, %add3A_89, %dma_wait3A_104] : memref<2x10240x128xf32, #tpu.memory_space<hbm>> -> memref<1x128x128xf32, #tpu.memory_space<hbm>>
      %dma_wait3A_106 = tpu.memref_squeeze %dma_wait3A_105 : memref<1x128x128xf32, #tpu.memory_space<hbm>> -> memref<128x128xf32, #tpu.memory_space<hbm>>
      %dma_wait3A_107 = arith.constant 0 : i32
      %dma_wait3A_108 = tpu.memref_slice %arg12[%add3A_89, %dma_wait3A_107] : memref<10240x128xf32, #tpu.memory_space<vmem_shared>> -> memref<128x128xf32, #tpu.memory_space<vmem_shared>>
      tpu.wait_dma2 semaphore(%run_scoped3A_98 : memref<!tpu.dma_semaphore, #tpu.memory_space<semaphore_mem>>) src(%dma_wait3A_108 : memref<128x128xf32, #tpu.memory_space<vmem_shared>>) dst(%dma_wait3A_106 : memref<128x128xf32, #tpu.memory_space<hbm>>)
      tpu.yield
    }) : () -> ()
    "tpu.region"() ({
      %run_scoped3A_98 = tpu.sem_alloc : memref<!tpu.dma_semaphore, #tpu.memory_space<semaphore_mem>>
      %dma_start3A_99 = arith.constant 0 : i32
      %dma_start3A_100 = tpu.memref_slice %arg8[%arg0, %add3A_89, %dma_start3A_99] : memref<2x10240x128xf32, #tpu.memory_space<hbm>> -> memref<1x128x16xf32, #tpu.memory_space<hbm>>
      %dma_start3A_101 = tpu.memref_squeeze %dma_start3A_100 : memref<1x128x16xf32, #tpu.memory_space<hbm>> -> memref<128x16xf32, #tpu.memory_space<hbm>>
      %dma_start3A_102 = arith.constant 0 : i32
      %dma_start3A_103 = tpu.memref_slice %arg13[%add3A_89, %dma_start3A_102] : memref<10240x16xf32, #tpu.memory_space<vmem_shared>> -> memref<128x16xf32, #tpu.memory_space<vmem_shared>>
      tpu.enqueue_dma source(%dma_start3A_103 : memref<128x16xf32, #tpu.memory_space<vmem_shared>>) target(%dma_start3A_101 : memref<128x16xf32, #tpu.memory_space<hbm>>) target_semaphore(%run_scoped3A_98 : memref<!tpu.dma_semaphore, #tpu.memory_space<semaphore_mem>>)
      %dma_wait3A_104 = arith.constant 0 : i32
      %dma_wait3A_105 = tpu.memref_slice %arg8[%arg0, %add3A_89, %dma_wait3A_104] : memref<2x10240x128xf32, #tpu.memory_space<hbm>> -> memref<1x128x16xf32, #tpu.memory_space<hbm>>
      %dma_wait3A_106 = tpu.memref_squeeze %dma_wait3A_105 : memref<1x128x16xf32, #tpu.memory_space<hbm>> -> memref<128x16xf32, #tpu.memory_space<hbm>>
      %dma_wait3A_107 = arith.constant 0 : i32
      %dma_wait3A_108 = tpu.memref_slice %arg13[%add3A_89, %dma_wait3A_107] : memref<10240x16xf32, #tpu.memory_space<vmem_shared>> -> memref<128x16xf32, #tpu.memory_space<vmem_shared>>
      tpu.wait_dma2 semaphore(%run_scoped3A_98 : memref<!tpu.dma_semaphore, #tpu.memory_space<semaphore_mem>>) src(%dma_wait3A_108 : memref<128x16xf32, #tpu.memory_space<vmem_shared>>) dst(%dma_wait3A_106 : memref<128x16xf32, #tpu.memory_space<hbm>>)
      tpu.yield
    }) : () -> ()
    "tpu.region"() ({
      %run_scoped3A_98 = tpu.sem_alloc : memref<!tpu.dma_semaphore, #tpu.memory_space<semaphore_mem>>
      %dma_start3A_99 = arith.constant 16 : i32
      %dma_start3A_100 = tpu.memref_slice %arg8[%arg0, %add3A_89, %dma_start3A_99] : memref<2x10240x128xf32, #tpu.memory_space<hbm>> -> memref<1x128x16xf32, #tpu.memory_space<hbm>>
      %dma_start3A_101 = tpu.memref_squeeze %dma_start3A_100 : memref<1x128x16xf32, #tpu.memory_space<hbm>> -> memref<128x16xf32, #tpu.memory_space<hbm>>
      %dma_start3A_102 = arith.constant 0 : i32
      %dma_start3A_103 = tpu.memref_slice %arg13[%add3A_89, %dma_start3A_102] : memref<10240x16xf32, #tpu.memory_space<vmem_shared>> -> memref<128x16xf32, #tpu.memory_space<vmem_shared>>
      tpu.enqueue_dma source(%dma_start3A_103 : memref<128x16xf32, #tpu.memory_space<vmem_shared>>) target(%dma_start3A_101 : memref<128x16xf32, #tpu.memory_space<hbm>>) target_semaphore(%run_scoped3A_98 : memref<!tpu.dma_semaphore, #tpu.memory_space<semaphore_mem>>)
      %dma_wait3A_104 = arith.constant 16 : i32
      %dma_wait3A_105 = tpu.memref_slice %arg8[%arg0, %add3A_89, %dma_wait3A_104] : memref<2x10240x128xf32, #tpu.memory_space<hbm>> -> memref<1x128x16xf32, #tpu.memory_space<hbm>>
      %dma_wait3A_106 = tpu.memref_squeeze %dma_wait3A_105 : memref<1x128x16xf32, #tpu.memory_space<hbm>> -> memref<128x16xf32, #tpu.memory_space<hbm>>
      %dma_wait3A_107 = arith.constant 0 : i32
      %dma_wait3A_108 = tpu.memref_slice %arg13[%add3A_89, %dma_wait3A_107] : memref<10240x16xf32, #tpu.memory_space<vmem_shared>> -> memref<128x16xf32, #tpu.memory_space<vmem_shared>>
      tpu.wait_dma2 semaphore(%run_scoped3A_98 : memref<!tpu.dma_semaphore, #tpu.memory_space<semaphore_mem>>) src(%dma_wait3A_108 : memref<128x16xf32, #tpu.memory_space<vmem_shared>>) dst(%dma_wait3A_106 : memref<128x16xf32, #tpu.memory_space<hbm>>)
      tpu.yield
    }) : () -> ()
    "tpu.region"() ({
      %run_scoped3A_98 = tpu.sem_alloc : memref<!tpu.dma_semaphore, #tpu.memory_space<semaphore_mem>>
      %dma_start3A_99 = arith.constant 32 : i32
      %dma_start3A_100 = tpu.memref_slice %arg8[%arg0, %add3A_89, %dma_start3A_99] : memref<2x10240x128xf32, #tpu.memory_space<hbm>> -> memref<1x128x16xf32, #tpu.memory_space<hbm>>
      %dma_start3A_101 = tpu.memref_squeeze %dma_start3A_100 : memref<1x128x16xf32, #tpu.memory_space<hbm>> -> memref<128x16xf32, #tpu.memory_space<hbm>>
      %dma_start3A_102 = arith.constant 0 : i32
      %dma_start3A_103 = tpu.memref_slice %arg13[%add3A_89, %dma_start3A_102] : memref<10240x16xf32, #tpu.memory_space<vmem_shared>> -> memref<128x16xf32, #tpu.memory_space<vmem_shared>>
      tpu.enqueue_dma source(%dma_start3A_103 : memref<128x16xf32, #tpu.memory_space<vmem_shared>>) target(%dma_start3A_101 : memref<128x16xf32, #tpu.memory_space<hbm>>) target_semaphore(%run_scoped3A_98 : memref<!tpu.dma_semaphore, #tpu.memory_space<semaphore_mem>>)
      %dma_wait3A_104 = arith.constant 32 : i32
      %dma_wait3A_105 = tpu.memref_slice %arg8[%arg0, %add3A_89, %dma_wait3A_104] : memref<2x10240x128xf32, #tpu.memory_space<hbm>> -> memref<1x128x16xf32, #tpu.memory_space<hbm>>
      %dma_wait3A_106 = tpu.memref_squeeze %dma_wait3A_105 : memref<1x128x16xf32, #tpu.memory_space<hbm>> -> memref<128x16xf32, #tpu.memory_space<hbm>>
      %dma_wait3A_107 = arith.constant 0 : i32
      %dma_wait3A_108 = tpu.memref_slice %arg13[%add3A_89, %dma_wait3A_107] : memref<10240x16xf32, #tpu.memory_space<vmem_shared>> -> memref<128x16xf32, #tpu.memory_space<vmem_shared>>
      tpu.wait_dma2 semaphore(%run_scoped3A_98 : memref<!tpu.dma_semaphore, #tpu.memory_space<semaphore_mem>>) src(%dma_wait3A_108 : memref<128x16xf32, #tpu.memory_space<vmem_shared>>) dst(%dma_wait3A_106 : memref<128x16xf32, #tpu.memory_space<hbm>>)
      tpu.yield
    }) : () -> ()
    "tpu.region"() ({
      %run_scoped3A_98 = tpu.sem_alloc : memref<!tpu.dma_semaphore, #tpu.memory_space<semaphore_mem>>
      %dma_start3A_99 = arith.constant 48 : i32
      %dma_start3A_100 = tpu.memref_slice %arg8[%arg0, %add3A_89, %dma_start3A_99] : memref<2x10240x128xf32, #tpu.memory_space<hbm>> -> memref<1x128x16xf32, #tpu.memory_space<hbm>>
      %dma_start3A_101 = tpu.memref_squeeze %dma_start3A_100 : memref<1x128x16xf32, #tpu.memory_space<hbm>> -> memref<128x16xf32, #tpu.memory_space<hbm>>
      %dma_start3A_102 = arith.constant 0 : i32
      %dma_start3A_103 = tpu.memref_slice %arg13[%add3A_89, %dma_start3A_102] : memref<10240x16xf32, #tpu.memory_space<vmem_shared>> -> memref<128x16xf32, #tpu.memory_space<vmem_shared>>
      tpu.enqueue_dma source(%dma_start3A_103 : memref<128x16xf32, #tpu.memory_space<vmem_shared>>) target(%dma_start3A_101 : memref<128x16xf32, #tpu.memory_space<hbm>>) target_semaphore(%run_scoped3A_98 : memref<!tpu.dma_semaphore, #tpu.memory_space<semaphore_mem>>)
      %dma_wait3A_104 = arith.constant 48 : i32
      %dma_wait3A_105 = tpu.memref_slice %arg8[%arg0, %add3A_89, %dma_wait3A_104] : memref<2x10240x128xf32, #tpu.memory_space<hbm>> -> memref<1x128x16xf32, #tpu.memory_space<hbm>>
      %dma_wait3A_106 = tpu.memref_squeeze %dma_wait3A_105 : memref<1x128x16xf32, #tpu.memory_space<hbm>> -> memref<128x16xf32, #tpu.memory_space<hbm>>
      %dma_wait3A_107 = arith.constant 0 : i32
      %dma_wait3A_108 = tpu.memref_slice %arg13[%add3A_89, %dma_wait3A_107] : memref<10240x16xf32, #tpu.memory_space<vmem_shared>> -> memref<128x16xf32, #tpu.memory_space<vmem_shared>>
      tpu.wait_dma2 semaphore(%run_scoped3A_98 : memref<!tpu.dma_semaphore, #tpu.memory_space<semaphore_mem>>) src(%dma_wait3A_108 : memref<128x16xf32, #tpu.memory_space<vmem_shared>>) dst(%dma_wait3A_106 : memref<128x16xf32, #tpu.memory_space<hbm>>)
      tpu.yield
    }) : () -> ()
    "tpu.region"() ({
      %run_scoped3A_98 = tpu.sem_alloc : memref<!tpu.dma_semaphore, #tpu.memory_space<semaphore_mem>>
      %dma_start3A_99 = arith.constant 64 : i32
      %dma_start3A_100 = tpu.memref_slice %arg8[%arg0, %add3A_89, %dma_start3A_99] : memref<2x10240x128xf32, #tpu.memory_space<hbm>> -> memref<1x128x16xf32, #tpu.memory_space<hbm>>
      %dma_start3A_101 = tpu.memref_squeeze %dma_start3A_100 : memref<1x128x16xf32, #tpu.memory_space<hbm>> -> memref<128x16xf32, #tpu.memory_space<hbm>>
      %dma_start3A_102 = arith.constant 0 : i32
      %dma_start3A_103 = tpu.memref_slice %arg13[%add3A_89, %dma_start3A_102] : memref<10240x16xf32, #tpu.memory_space<vmem_shared>> -> memref<128x16xf32, #tpu.memory_space<vmem_shared>>
      tpu.enqueue_dma source(%dma_start3A_103 : memref<128x16xf32, #tpu.memory_space<vmem_shared>>) target(%dma_start3A_101 : memref<128x16xf32, #tpu.memory_space<hbm>>) target_semaphore(%run_scoped3A_98 : memref<!tpu.dma_semaphore, #tpu.memory_space<semaphore_mem>>)
      %dma_wait3A_104 = arith.constant 64 : i32
      %dma_wait3A_105 = tpu.memref_slice %arg8[%arg0, %add3A_89, %dma_wait3A_104] : memref<2x10240x128xf32, #tpu.memory_space<hbm>> -> memref<1x128x16xf32, #tpu.memory_space<hbm>>
      %dma_wait3A_106 = tpu.memref_squeeze %dma_wait3A_105 : memref<1x128x16xf32, #tpu.memory_space<hbm>> -> memref<128x16xf32, #tpu.memory_space<hbm>>
      %dma_wait3A_107 = arith.constant 0 : i32
      %dma_wait3A_108 = tpu.memref_slice %arg13[%add3A_89, %dma_wait3A_107] : memref<10240x16xf32, #tpu.memory_space<vmem_shared>> -> memref<128x16xf32, #tpu.memory_space<vmem_shared>>
      tpu.wait_dma2 semaphore(%run_scoped3A_98 : memref<!tpu.dma_semaphore, #tpu.memory_space<semaphore_mem>>) src(%dma_wait3A_108 : memref<128x16xf32, #tpu.memory_space<vmem_shared>>) dst(%dma_wait3A_106 : memref<128x16xf32, #tpu.memory_space<hbm>>)
      tpu.yield
    }) : () -> ()
    "tpu.region"() ({
      %run_scoped3A_98 = tpu.sem_alloc : memref<!tpu.dma_semaphore, #tpu.memory_space<semaphore_mem>>
      %dma_start3A_99 = arith.constant 80 : i32
      %dma_start3A_100 = tpu.memref_slice %arg8[%arg0, %add3A_89, %dma_start3A_99] : memref<2x10240x128xf32, #tpu.memory_space<hbm>> -> memref<1x128x16xf32, #tpu.memory_space<hbm>>
      %dma_start3A_101 = tpu.memref_squeeze %dma_start3A_100 : memref<1x128x16xf32, #tpu.memory_space<hbm>> -> memref<128x16xf32, #tpu.memory_space<hbm>>
      %dma_start3A_102 = arith.constant 0 : i32
      %dma_start3A_103 = tpu.memref_slice %arg13[%add3A_89, %dma_start3A_102] : memref<10240x16xf32, #tpu.memory_space<vmem_shared>> -> memref<128x16xf32, #tpu.memory_space<vmem_shared>>
      tpu.enqueue_dma source(%dma_start3A_103 : memref<128x16xf32, #tpu.memory_space<vmem_shared>>) target(%dma_start3A_101 : memref<128x16xf32, #tpu.memory_space<hbm>>) target_semaphore(%run_scoped3A_98 : memref<!tpu.dma_semaphore, #tpu.memory_space<semaphore_mem>>)
      %dma_wait3A_104 = arith.constant 80 : i32
      %dma_wait3A_105 = tpu.memref_slice %arg8[%arg0, %add3A_89, %dma_wait3A_104] : memref<2x10240x128xf32, #tpu.memory_space<hbm>> -> memref<1x128x16xf32, #tpu.memory_space<hbm>>
      %dma_wait3A_106 = tpu.memref_squeeze %dma_wait3A_105 : memref<1x128x16xf32, #tpu.memory_space<hbm>> -> memref<128x16xf32, #tpu.memory_space<hbm>>
      %dma_wait3A_107 = arith.constant 0 : i32
      %dma_wait3A_108 = tpu.memref_slice %arg13[%add3A_89, %dma_wait3A_107] : memref<10240x16xf32, #tpu.memory_space<vmem_shared>> -> memref<128x16xf32, #tpu.memory_space<vmem_shared>>
      tpu.wait_dma2 semaphore(%run_scoped3A_98 : memref<!tpu.dma_semaphore, #tpu.memory_space<semaphore_mem>>) src(%dma_wait3A_108 : memref<128x16xf32, #tpu.memory_space<vmem_shared>>) dst(%dma_wait3A_106 : memref<128x16xf32, #tpu.memory_space<hbm>>)
      tpu.yield
    }) : () -> ()
    "tpu.region"() ({
      %run_scoped3A_98 = tpu.sem_alloc : memref<!tpu.dma_semaphore, #tpu.memory_space<semaphore_mem>>
      %dma_start3A_99 = arith.constant 96 : i32
      %dma_start3A_100 = tpu.memref_slice %arg8[%arg0, %add3A_89, %dma_start3A_99] : memref<2x10240x128xf32, #tpu.memory_space<hbm>> -> memref<1x128x16xf32, #tpu.memory_space<hbm>>
      %dma_start3A_101 = tpu.memref_squeeze %dma_start3A_100 : memref<1x128x16xf32, #tpu.memory_space<hbm>> -> memref<128x16xf32, #tpu.memory_space<hbm>>
      %dma_start3A_102 = arith.constant 0 : i32
      %dma_start3A_103 = tpu.memref_slice %arg13[%add3A_89, %dma_start3A_102] : memref<10240x16xf32, #tpu.memory_space<vmem_shared>> -> memref<128x16xf32, #tpu.memory_space<vmem_shared>>
      tpu.enqueue_dma source(%dma_start3A_103 : memref<128x16xf32, #tpu.memory_space<vmem_shared>>) target(%dma_start3A_101 : memref<128x16xf32, #tpu.memory_space<hbm>>) target_semaphore(%run_scoped3A_98 : memref<!tpu.dma_semaphore, #tpu.memory_space<semaphore_mem>>)
      %dma_wait3A_104 = arith.constant 96 : i32
      %dma_wait3A_105 = tpu.memref_slice %arg8[%arg0, %add3A_89, %dma_wait3A_104] : memref<2x10240x128xf32, #tpu.memory_space<hbm>> -> memref<1x128x16xf32, #tpu.memory_space<hbm>>
      %dma_wait3A_106 = tpu.memref_squeeze %dma_wait3A_105 : memref<1x128x16xf32, #tpu.memory_space<hbm>> -> memref<128x16xf32, #tpu.memory_space<hbm>>
      %dma_wait3A_107 = arith.constant 0 : i32
      %dma_wait3A_108 = tpu.memref_slice %arg13[%add3A_89, %dma_wait3A_107] : memref<10240x16xf32, #tpu.memory_space<vmem_shared>> -> memref<128x16xf32, #tpu.memory_space<vmem_shared>>
      tpu.wait_dma2 semaphore(%run_scoped3A_98 : memref<!tpu.dma_semaphore, #tpu.memory_space<semaphore_mem>>) src(%dma_wait3A_108 : memref<128x16xf32, #tpu.memory_space<vmem_shared>>) dst(%dma_wait3A_106 : memref<128x16xf32, #tpu.memory_space<hbm>>)
      tpu.yield
    }) : () -> ()
    "tpu.region"() ({
      %run_scoped3A_98 = tpu.sem_alloc : memref<!tpu.dma_semaphore, #tpu.memory_space<semaphore_mem>>
      %dma_start3A_99 = arith.constant 112 : i32
      %dma_start3A_100 = tpu.memref_slice %arg8[%arg0, %add3A_89, %dma_start3A_99] : memref<2x10240x128xf32, #tpu.memory_space<hbm>> -> memref<1x128x16xf32, #tpu.memory_space<hbm>>
      %dma_start3A_101 = tpu.memref_squeeze %dma_start3A_100 : memref<1x128x16xf32, #tpu.memory_space<hbm>> -> memref<128x16xf32, #tpu.memory_space<hbm>>
      %dma_start3A_102 = arith.constant 0 : i32
      %dma_start3A_103 = tpu.memref_slice %arg13[%add3A_89, %dma_start3A_102] : memref<10240x16xf32, #tpu.memory_space<vmem_shared>> -> memref<128x16xf32, #tpu.memory_space<vmem_shared>>
      tpu.enqueue_dma source(%dma_start3A_103 : memref<128x16xf32, #tpu.memory_space<vmem_shared>>) target(%dma_start3A_101 : memref<128x16xf32, #tpu.memory_space<hbm>>) target_semaphore(%run_scoped3A_98 : memref<!tpu.dma_semaphore, #tpu.memory_space<semaphore_mem>>)
      %dma_wait3A_104 = arith.constant 112 : i32
      %dma_wait3A_105 = tpu.memref_slice %arg8[%arg0, %add3A_89, %dma_wait3A_104] : memref<2x10240x128xf32, #tpu.memory_space<hbm>> -> memref<1x128x16xf32, #tpu.memory_space<hbm>>
      %dma_wait3A_106 = tpu.memref_squeeze %dma_wait3A_105 : memref<1x128x16xf32, #tpu.memory_space<hbm>> -> memref<128x16xf32, #tpu.memory_space<hbm>>
      %dma_wait3A_107 = arith.constant 0 : i32
      %dma_wait3A_108 = tpu.memref_slice %arg13[%add3A_89, %dma_wait3A_107] : memref<10240x16xf32, #tpu.memory_space<vmem_shared>> -> memref<128x16xf32, #tpu.memory_space<vmem_shared>>
      tpu.wait_dma2 semaphore(%run_scoped3A_98 : memref<!tpu.dma_semaphore, #tpu.memory_space<semaphore_mem>>) src(%dma_wait3A_108 : memref<128x16xf32, #tpu.memory_space<vmem_shared>>) dst(%dma_wait3A_106 : memref<128x16xf32, #tpu.memory_space<hbm>>)
      tpu.yield
    }) : () -> ()
    %add3A_90 = arith.constant 128 : i32
    %add3A_91 = arith.addi %mul3A_40, %add3A_90 : i32
    "tpu.region"() ({
      %run_scoped3A_98 = tpu.sem_alloc : memref<!tpu.dma_semaphore, #tpu.memory_space<semaphore_mem>>
      %dma_start3A_99 = arith.constant 0 : i32
      %dma_start3A_100 = tpu.memref_slice %arg7[%arg0, %add3A_91, %dma_start3A_99] : memref<2x10240x128xf32, #tpu.memory_space<hbm>> -> memref<1x128x128xf32, #tpu.memory_space<hbm>>
      %dma_start3A_101 = tpu.memref_squeeze %dma_start3A_100 : memref<1x128x128xf32, #tpu.memory_space<hbm>> -> memref<128x128xf32, #tpu.memory_space<hbm>>
      %dma_start3A_102 = arith.constant 0 : i32
      %dma_start3A_103 = tpu.memref_slice %arg12[%add3A_91, %dma_start3A_102] : memref<10240x128xf32, #tpu.memory_space<vmem_shared>> -> memref<128x128xf32, #tpu.memory_space<vmem_shared>>
      tpu.enqueue_dma source(%dma_start3A_103 : memref<128x128xf32, #tpu.memory_space<vmem_shared>>) target(%dma_start3A_101 : memref<128x128xf32, #tpu.memory_space<hbm>>) target_semaphore(%run_scoped3A_98 : memref<!tpu.dma_semaphore, #tpu.memory_space<semaphore_mem>>)
      %dma_wait3A_104 = arith.constant 0 : i32
      %dma_wait3A_105 = tpu.memref_slice %arg7[%arg0, %add3A_91, %dma_wait3A_104] : memref<2x10240x128xf32, #tpu.memory_space<hbm>> -> memref<1x128x128xf32, #tpu.memory_space<hbm>>
      %dma_wait3A_106 = tpu.memref_squeeze %dma_wait3A_105 : memref<1x128x128xf32, #tpu.memory_space<hbm>> -> memref<128x128xf32, #tpu.memory_space<hbm>>
      %dma_wait3A_107 = arith.constant 0 : i32
      %dma_wait3A_108 = tpu.memref_slice %arg12[%add3A_91, %dma_wait3A_107] : memref<10240x128xf32, #tpu.memory_space<vmem_shared>> -> memref<128x128xf32, #tpu.memory_space<vmem_shared>>
      tpu.wait_dma2 semaphore(%run_scoped3A_98 : memref<!tpu.dma_semaphore, #tpu.memory_space<semaphore_mem>>) src(%dma_wait3A_108 : memref<128x128xf32, #tpu.memory_space<vmem_shared>>) dst(%dma_wait3A_106 : memref<128x128xf32, #tpu.memory_space<hbm>>)
      tpu.yield
    }) : () -> ()
    "tpu.region"() ({
      %run_scoped3A_98 = tpu.sem_alloc : memref<!tpu.dma_semaphore, #tpu.memory_space<semaphore_mem>>
      %dma_start3A_99 = arith.constant 0 : i32
      %dma_start3A_100 = tpu.memref_slice %arg8[%arg0, %add3A_91, %dma_start3A_99] : memref<2x10240x128xf32, #tpu.memory_space<hbm>> -> memref<1x128x16xf32, #tpu.memory_space<hbm>>
      %dma_start3A_101 = tpu.memref_squeeze %dma_start3A_100 : memref<1x128x16xf32, #tpu.memory_space<hbm>> -> memref<128x16xf32, #tpu.memory_space<hbm>>
      %dma_start3A_102 = arith.constant 0 : i32
      %dma_start3A_103 = tpu.memref_slice %arg13[%add3A_91, %dma_start3A_102] : memref<10240x16xf32, #tpu.memory_space<vmem_shared>> -> memref<128x16xf32, #tpu.memory_space<vmem_shared>>
      tpu.enqueue_dma source(%dma_start3A_103 : memref<128x16xf32, #tpu.memory_space<vmem_shared>>) target(%dma_start3A_101 : memref<128x16xf32, #tpu.memory_space<hbm>>) target_semaphore(%run_scoped3A_98 : memref<!tpu.dma_semaphore, #tpu.memory_space<semaphore_mem>>)
      %dma_wait3A_104 = arith.constant 0 : i32
      %dma_wait3A_105 = tpu.memref_slice %arg8[%arg0, %add3A_91, %dma_wait3A_104] : memref<2x10240x128xf32, #tpu.memory_space<hbm>> -> memref<1x128x16xf32, #tpu.memory_space<hbm>>
      %dma_wait3A_106 = tpu.memref_squeeze %dma_wait3A_105 : memref<1x128x16xf32, #tpu.memory_space<hbm>> -> memref<128x16xf32, #tpu.memory_space<hbm>>
      %dma_wait3A_107 = arith.constant 0 : i32
      %dma_wait3A_108 = tpu.memref_slice %arg13[%add3A_91, %dma_wait3A_107] : memref<10240x16xf32, #tpu.memory_space<vmem_shared>> -> memref<128x16xf32, #tpu.memory_space<vmem_shared>>
      tpu.wait_dma2 semaphore(%run_scoped3A_98 : memref<!tpu.dma_semaphore, #tpu.memory_space<semaphore_mem>>) src(%dma_wait3A_108 : memref<128x16xf32, #tpu.memory_space<vmem_shared>>) dst(%dma_wait3A_106 : memref<128x16xf32, #tpu.memory_space<hbm>>)
      tpu.yield
    }) : () -> ()
    "tpu.region"() ({
      %run_scoped3A_98 = tpu.sem_alloc : memref<!tpu.dma_semaphore, #tpu.memory_space<semaphore_mem>>
      %dma_start3A_99 = arith.constant 16 : i32
      %dma_start3A_100 = tpu.memref_slice %arg8[%arg0, %add3A_91, %dma_start3A_99] : memref<2x10240x128xf32, #tpu.memory_space<hbm>> -> memref<1x128x16xf32, #tpu.memory_space<hbm>>
      %dma_start3A_101 = tpu.memref_squeeze %dma_start3A_100 : memref<1x128x16xf32, #tpu.memory_space<hbm>> -> memref<128x16xf32, #tpu.memory_space<hbm>>
      %dma_start3A_102 = arith.constant 0 : i32
      %dma_start3A_103 = tpu.memref_slice %arg13[%add3A_91, %dma_start3A_102] : memref<10240x16xf32, #tpu.memory_space<vmem_shared>> -> memref<128x16xf32, #tpu.memory_space<vmem_shared>>
      tpu.enqueue_dma source(%dma_start3A_103 : memref<128x16xf32, #tpu.memory_space<vmem_shared>>) target(%dma_start3A_101 : memref<128x16xf32, #tpu.memory_space<hbm>>) target_semaphore(%run_scoped3A_98 : memref<!tpu.dma_semaphore, #tpu.memory_space<semaphore_mem>>)
      %dma_wait3A_104 = arith.constant 16 : i32
      %dma_wait3A_105 = tpu.memref_slice %arg8[%arg0, %add3A_91, %dma_wait3A_104] : memref<2x10240x128xf32, #tpu.memory_space<hbm>> -> memref<1x128x16xf32, #tpu.memory_space<hbm>>
      %dma_wait3A_106 = tpu.memref_squeeze %dma_wait3A_105 : memref<1x128x16xf32, #tpu.memory_space<hbm>> -> memref<128x16xf32, #tpu.memory_space<hbm>>
      %dma_wait3A_107 = arith.constant 0 : i32
      %dma_wait3A_108 = tpu.memref_slice %arg13[%add3A_91, %dma_wait3A_107] : memref<10240x16xf32, #tpu.memory_space<vmem_shared>> -> memref<128x16xf32, #tpu.memory_space<vmem_shared>>
      tpu.wait_dma2 semaphore(%run_scoped3A_98 : memref<!tpu.dma_semaphore, #tpu.memory_space<semaphore_mem>>) src(%dma_wait3A_108 : memref<128x16xf32, #tpu.memory_space<vmem_shared>>) dst(%dma_wait3A_106 : memref<128x16xf32, #tpu.memory_space<hbm>>)
      tpu.yield
    }) : () -> ()
    "tpu.region"() ({
      %run_scoped3A_98 = tpu.sem_alloc : memref<!tpu.dma_semaphore, #tpu.memory_space<semaphore_mem>>
      %dma_start3A_99 = arith.constant 32 : i32
      %dma_start3A_100 = tpu.memref_slice %arg8[%arg0, %add3A_91, %dma_start3A_99] : memref<2x10240x128xf32, #tpu.memory_space<hbm>> -> memref<1x128x16xf32, #tpu.memory_space<hbm>>
      %dma_start3A_101 = tpu.memref_squeeze %dma_start3A_100 : memref<1x128x16xf32, #tpu.memory_space<hbm>> -> memref<128x16xf32, #tpu.memory_space<hbm>>
      %dma_start3A_102 = arith.constant 0 : i32
      %dma_start3A_103 = tpu.memref_slice %arg13[%add3A_91, %dma_start3A_102] : memref<10240x16xf32, #tpu.memory_space<vmem_shared>> -> memref<128x16xf32, #tpu.memory_space<vmem_shared>>
      tpu.enqueue_dma source(%dma_start3A_103 : memref<128x16xf32, #tpu.memory_space<vmem_shared>>) target(%dma_start3A_101 : memref<128x16xf32, #tpu.memory_space<hbm>>) target_semaphore(%run_scoped3A_98 : memref<!tpu.dma_semaphore, #tpu.memory_space<semaphore_mem>>)
      %dma_wait3A_104 = arith.constant 32 : i32
      %dma_wait3A_105 = tpu.memref_slice %arg8[%arg0, %add3A_91, %dma_wait3A_104] : memref<2x10240x128xf32, #tpu.memory_space<hbm>> -> memref<1x128x16xf32, #tpu.memory_space<hbm>>
      %dma_wait3A_106 = tpu.memref_squeeze %dma_wait3A_105 : memref<1x128x16xf32, #tpu.memory_space<hbm>> -> memref<128x16xf32, #tpu.memory_space<hbm>>
      %dma_wait3A_107 = arith.constant 0 : i32
      %dma_wait3A_108 = tpu.memref_slice %arg13[%add3A_91, %dma_wait3A_107] : memref<10240x16xf32, #tpu.memory_space<vmem_shared>> -> memref<128x16xf32, #tpu.memory_space<vmem_shared>>
      tpu.wait_dma2 semaphore(%run_scoped3A_98 : memref<!tpu.dma_semaphore, #tpu.memory_space<semaphore_mem>>) src(%dma_wait3A_108 : memref<128x16xf32, #tpu.memory_space<vmem_shared>>) dst(%dma_wait3A_106 : memref<128x16xf32, #tpu.memory_space<hbm>>)
      tpu.yield
    }) : () -> ()
    "tpu.region"() ({
      %run_scoped3A_98 = tpu.sem_alloc : memref<!tpu.dma_semaphore, #tpu.memory_space<semaphore_mem>>
      %dma_start3A_99 = arith.constant 48 : i32
      %dma_start3A_100 = tpu.memref_slice %arg8[%arg0, %add3A_91, %dma_start3A_99] : memref<2x10240x128xf32, #tpu.memory_space<hbm>> -> memref<1x128x16xf32, #tpu.memory_space<hbm>>
      %dma_start3A_101 = tpu.memref_squeeze %dma_start3A_100 : memref<1x128x16xf32, #tpu.memory_space<hbm>> -> memref<128x16xf32, #tpu.memory_space<hbm>>
      %dma_start3A_102 = arith.constant 0 : i32
      %dma_start3A_103 = tpu.memref_slice %arg13[%add3A_91, %dma_start3A_102] : memref<10240x16xf32, #tpu.memory_space<vmem_shared>> -> memref<128x16xf32, #tpu.memory_space<vmem_shared>>
      tpu.enqueue_dma source(%dma_start3A_103 : memref<128x16xf32, #tpu.memory_space<vmem_shared>>) target(%dma_start3A_101 : memref<128x16xf32, #tpu.memory_space<hbm>>) target_semaphore(%run_scoped3A_98 : memref<!tpu.dma_semaphore, #tpu.memory_space<semaphore_mem>>)
      %dma_wait3A_104 = arith.constant 48 : i32
      %dma_wait3A_105 = tpu.memref_slice %arg8[%arg0, %add3A_91, %dma_wait3A_104] : memref<2x10240x128xf32, #tpu.memory_space<hbm>> -> memref<1x128x16xf32, #tpu.memory_space<hbm>>
      %dma_wait3A_106 = tpu.memref_squeeze %dma_wait3A_105 : memref<1x128x16xf32, #tpu.memory_space<hbm>> -> memref<128x16xf32, #tpu.memory_space<hbm>>
      %dma_wait3A_107 = arith.constant 0 : i32
      %dma_wait3A_108 = tpu.memref_slice %arg13[%add3A_91, %dma_wait3A_107] : memref<10240x16xf32, #tpu.memory_space<vmem_shared>> -> memref<128x16xf32, #tpu.memory_space<vmem_shared>>
      tpu.wait_dma2 semaphore(%run_scoped3A_98 : memref<!tpu.dma_semaphore, #tpu.memory_space<semaphore_mem>>) src(%dma_wait3A_108 : memref<128x16xf32, #tpu.memory_space<vmem_shared>>) dst(%dma_wait3A_106 : memref<128x16xf32, #tpu.memory_space<hbm>>)
      tpu.yield
    }) : () -> ()
    "tpu.region"() ({
      %run_scoped3A_98 = tpu.sem_alloc : memref<!tpu.dma_semaphore, #tpu.memory_space<semaphore_mem>>
      %dma_start3A_99 = arith.constant 64 : i32
      %dma_start3A_100 = tpu.memref_slice %arg8[%arg0, %add3A_91, %dma_start3A_99] : memref<2x10240x128xf32, #tpu.memory_space<hbm>> -> memref<1x128x16xf32, #tpu.memory_space<hbm>>
      %dma_start3A_101 = tpu.memref_squeeze %dma_start3A_100 : memref<1x128x16xf32, #tpu.memory_space<hbm>> -> memref<128x16xf32, #tpu.memory_space<hbm>>
      %dma_start3A_102 = arith.constant 0 : i32
      %dma_start3A_103 = tpu.memref_slice %arg13[%add3A_91, %dma_start3A_102] : memref<10240x16xf32, #tpu.memory_space<vmem_shared>> -> memref<128x16xf32, #tpu.memory_space<vmem_shared>>
      tpu.enqueue_dma source(%dma_start3A_103 : memref<128x16xf32, #tpu.memory_space<vmem_shared>>) target(%dma_start3A_101 : memref<128x16xf32, #tpu.memory_space<hbm>>) target_semaphore(%run_scoped3A_98 : memref<!tpu.dma_semaphore, #tpu.memory_space<semaphore_mem>>)
      %dma_wait3A_104 = arith.constant 64 : i32
      %dma_wait3A_105 = tpu.memref_slice %arg8[%arg0, %add3A_91, %dma_wait3A_104] : memref<2x10240x128xf32, #tpu.memory_space<hbm>> -> memref<1x128x16xf32, #tpu.memory_space<hbm>>
      %dma_wait3A_106 = tpu.memref_squeeze %dma_wait3A_105 : memref<1x128x16xf32, #tpu.memory_space<hbm>> -> memref<128x16xf32, #tpu.memory_space<hbm>>
      %dma_wait3A_107 = arith.constant 0 : i32
      %dma_wait3A_108 = tpu.memref_slice %arg13[%add3A_91, %dma_wait3A_107] : memref<10240x16xf32, #tpu.memory_space<vmem_shared>> -> memref<128x16xf32, #tpu.memory_space<vmem_shared>>
      tpu.wait_dma2 semaphore(%run_scoped3A_98 : memref<!tpu.dma_semaphore, #tpu.memory_space<semaphore_mem>>) src(%dma_wait3A_108 : memref<128x16xf32, #tpu.memory_space<vmem_shared>>) dst(%dma_wait3A_106 : memref<128x16xf32, #tpu.memory_space<hbm>>)
      tpu.yield
    }) : () -> ()
    "tpu.region"() ({
      %run_scoped3A_98 = tpu.sem_alloc : memref<!tpu.dma_semaphore, #tpu.memory_space<semaphore_mem>>
      %dma_start3A_99 = arith.constant 80 : i32
      %dma_start3A_100 = tpu.memref_slice %arg8[%arg0, %add3A_91, %dma_start3A_99] : memref<2x10240x128xf32, #tpu.memory_space<hbm>> -> memref<1x128x16xf32, #tpu.memory_space<hbm>>
      %dma_start3A_101 = tpu.memref_squeeze %dma_start3A_100 : memref<1x128x16xf32, #tpu.memory_space<hbm>> -> memref<128x16xf32, #tpu.memory_space<hbm>>
      %dma_start3A_102 = arith.constant 0 : i32
      %dma_start3A_103 = tpu.memref_slice %arg13[%add3A_91, %dma_start3A_102] : memref<10240x16xf32, #tpu.memory_space<vmem_shared>> -> memref<128x16xf32, #tpu.memory_space<vmem_shared>>
      tpu.enqueue_dma source(%dma_start3A_103 : memref<128x16xf32, #tpu.memory_space<vmem_shared>>) target(%dma_start3A_101 : memref<128x16xf32, #tpu.memory_space<hbm>>) target_semaphore(%run_scoped3A_98 : memref<!tpu.dma_semaphore, #tpu.memory_space<semaphore_mem>>)
      %dma_wait3A_104 = arith.constant 80 : i32
      %dma_wait3A_105 = tpu.memref_slice %arg8[%arg0, %add3A_91, %dma_wait3A_104] : memref<2x10240x128xf32, #tpu.memory_space<hbm>> -> memref<1x128x16xf32, #tpu.memory_space<hbm>>
      %dma_wait3A_106 = tpu.memref_squeeze %dma_wait3A_105 : memref<1x128x16xf32, #tpu.memory_space<hbm>> -> memref<128x16xf32, #tpu.memory_space<hbm>>
      %dma_wait3A_107 = arith.constant 0 : i32
      %dma_wait3A_108 = tpu.memref_slice %arg13[%add3A_91, %dma_wait3A_107] : memref<10240x16xf32, #tpu.memory_space<vmem_shared>> -> memref<128x16xf32, #tpu.memory_space<vmem_shared>>
      tpu.wait_dma2 semaphore(%run_scoped3A_98 : memref<!tpu.dma_semaphore, #tpu.memory_space<semaphore_mem>>) src(%dma_wait3A_108 : memref<128x16xf32, #tpu.memory_space<vmem_shared>>) dst(%dma_wait3A_106 : memref<128x16xf32, #tpu.memory_space<hbm>>)
      tpu.yield
    }) : () -> ()
    "tpu.region"() ({
      %run_scoped3A_98 = tpu.sem_alloc : memref<!tpu.dma_semaphore, #tpu.memory_space<semaphore_mem>>
      %dma_start3A_99 = arith.constant 96 : i32
      %dma_start3A_100 = tpu.memref_slice %arg8[%arg0, %add3A_91, %dma_start3A_99] : memref<2x10240x128xf32, #tpu.memory_space<hbm>> -> memref<1x128x16xf32, #tpu.memory_space<hbm>>
      %dma_start3A_101 = tpu.memref_squeeze %dma_start3A_100 : memref<1x128x16xf32, #tpu.memory_space<hbm>> -> memref<128x16xf32, #tpu.memory_space<hbm>>
      %dma_start3A_102 = arith.constant 0 : i32
      %dma_start3A_103 = tpu.memref_slice %arg13[%add3A_91, %dma_start3A_102] : memref<10240x16xf32, #tpu.memory_space<vmem_shared>> -> memref<128x16xf32, #tpu.memory_space<vmem_shared>>
      tpu.enqueue_dma source(%dma_start3A_103 : memref<128x16xf32, #tpu.memory_space<vmem_shared>>) target(%dma_start3A_101 : memref<128x16xf32, #tpu.memory_space<hbm>>) target_semaphore(%run_scoped3A_98 : memref<!tpu.dma_semaphore, #tpu.memory_space<semaphore_mem>>)
      %dma_wait3A_104 = arith.constant 96 : i32
      %dma_wait3A_105 = tpu.memref_slice %arg8[%arg0, %add3A_91, %dma_wait3A_104] : memref<2x10240x128xf32, #tpu.memory_space<hbm>> -> memref<1x128x16xf32, #tpu.memory_space<hbm>>
      %dma_wait3A_106 = tpu.memref_squeeze %dma_wait3A_105 : memref<1x128x16xf32, #tpu.memory_space<hbm>> -> memref<128x16xf32, #tpu.memory_space<hbm>>
      %dma_wait3A_107 = arith.constant 0 : i32
      %dma_wait3A_108 = tpu.memref_slice %arg13[%add3A_91, %dma_wait3A_107] : memref<10240x16xf32, #tpu.memory_space<vmem_shared>> -> memref<128x16xf32, #tpu.memory_space<vmem_shared>>
      tpu.wait_dma2 semaphore(%run_scoped3A_98 : memref<!tpu.dma_semaphore, #tpu.memory_space<semaphore_mem>>) src(%dma_wait3A_108 : memref<128x16xf32, #tpu.memory_space<vmem_shared>>) dst(%dma_wait3A_106 : memref<128x16xf32, #tpu.memory_space<hbm>>)
      tpu.yield
    }) : () -> ()
    "tpu.region"() ({
      %run_scoped3A_98 = tpu.sem_alloc : memref<!tpu.dma_semaphore, #tpu.memory_space<semaphore_mem>>
      %dma_start3A_99 = arith.constant 112 : i32
      %dma_start3A_100 = tpu.memref_slice %arg8[%arg0, %add3A_91, %dma_start3A_99] : memref<2x10240x128xf32, #tpu.memory_space<hbm>> -> memref<1x128x16xf32, #tpu.memory_space<hbm>>
      %dma_start3A_101 = tpu.memref_squeeze %dma_start3A_100 : memref<1x128x16xf32, #tpu.memory_space<hbm>> -> memref<128x16xf32, #tpu.memory_space<hbm>>
      %dma_start3A_102 = arith.constant 0 : i32
      %dma_start3A_103 = tpu.memref_slice %arg13[%add3A_91, %dma_start3A_102] : memref<10240x16xf32, #tpu.memory_space<vmem_shared>> -> memref<128x16xf32, #tpu.memory_space<vmem_shared>>
      tpu.enqueue_dma source(%dma_start3A_103 : memref<128x16xf32, #tpu.memory_space<vmem_shared>>) target(%dma_start3A_101 : memref<128x16xf32, #tpu.memory_space<hbm>>) target_semaphore(%run_scoped3A_98 : memref<!tpu.dma_semaphore, #tpu.memory_space<semaphore_mem>>)
      %dma_wait3A_104 = arith.constant 112 : i32
      %dma_wait3A_105 = tpu.memref_slice %arg8[%arg0, %add3A_91, %dma_wait3A_104] : memref<2x10240x128xf32, #tpu.memory_space<hbm>> -> memref<1x128x16xf32, #tpu.memory_space<hbm>>
      %dma_wait3A_106 = tpu.memref_squeeze %dma_wait3A_105 : memref<1x128x16xf32, #tpu.memory_space<hbm>> -> memref<128x16xf32, #tpu.memory_space<hbm>>
      %dma_wait3A_107 = arith.constant 0 : i32
      %dma_wait3A_108 = tpu.memref_slice %arg13[%add3A_91, %dma_wait3A_107] : memref<10240x16xf32, #tpu.memory_space<vmem_shared>> -> memref<128x16xf32, #tpu.memory_space<vmem_shared>>
      tpu.wait_dma2 semaphore(%run_scoped3A_98 : memref<!tpu.dma_semaphore, #tpu.memory_space<semaphore_mem>>) src(%dma_wait3A_108 : memref<128x16xf32, #tpu.memory_space<vmem_shared>>) dst(%dma_wait3A_106 : memref<128x16xf32, #tpu.memory_space<hbm>>)
      tpu.yield
    }) : () -> ()
    %add3A_92 = arith.constant 256 : i32
    %add3A_93 = arith.addi %mul3A_40, %add3A_92 : i32
    "tpu.region"() ({
      %run_scoped3A_98 = tpu.sem_alloc : memref<!tpu.dma_semaphore, #tpu.memory_space<semaphore_mem>>
      %dma_start3A_99 = arith.constant 0 : i32
      %dma_start3A_100 = tpu.memref_slice %arg7[%arg0, %add3A_93, %dma_start3A_99] : memref<2x10240x128xf32, #tpu.memory_space<hbm>> -> memref<1x128x128xf32, #tpu.memory_space<hbm>>
      %dma_start3A_101 = tpu.memref_squeeze %dma_start3A_100 : memref<1x128x128xf32, #tpu.memory_space<hbm>> -> memref<128x128xf32, #tpu.memory_space<hbm>>
      %dma_start3A_102 = arith.constant 0 : i32
      %dma_start3A_103 = tpu.memref_slice %arg12[%add3A_93, %dma_start3A_102] : memref<10240x128xf32, #tpu.memory_space<vmem_shared>> -> memref<128x128xf32, #tpu.memory_space<vmem_shared>>
      tpu.enqueue_dma source(%dma_start3A_103 : memref<128x128xf32, #tpu.memory_space<vmem_shared>>) target(%dma_start3A_101 : memref<128x128xf32, #tpu.memory_space<hbm>>) target_semaphore(%run_scoped3A_98 : memref<!tpu.dma_semaphore, #tpu.memory_space<semaphore_mem>>)
      %dma_wait3A_104 = arith.constant 0 : i32
      %dma_wait3A_105 = tpu.memref_slice %arg7[%arg0, %add3A_93, %dma_wait3A_104] : memref<2x10240x128xf32, #tpu.memory_space<hbm>> -> memref<1x128x128xf32, #tpu.memory_space<hbm>>
      %dma_wait3A_106 = tpu.memref_squeeze %dma_wait3A_105 : memref<1x128x128xf32, #tpu.memory_space<hbm>> -> memref<128x128xf32, #tpu.memory_space<hbm>>
      %dma_wait3A_107 = arith.constant 0 : i32
      %dma_wait3A_108 = tpu.memref_slice %arg12[%add3A_93, %dma_wait3A_107] : memref<10240x128xf32, #tpu.memory_space<vmem_shared>> -> memref<128x128xf32, #tpu.memory_space<vmem_shared>>
      tpu.wait_dma2 semaphore(%run_scoped3A_98 : memref<!tpu.dma_semaphore, #tpu.memory_space<semaphore_mem>>) src(%dma_wait3A_108 : memref<128x128xf32, #tpu.memory_space<vmem_shared>>) dst(%dma_wait3A_106 : memref<128x128xf32, #tpu.memory_space<hbm>>)
      tpu.yield
    }) : () -> ()
    "tpu.region"() ({
      %run_scoped3A_98 = tpu.sem_alloc : memref<!tpu.dma_semaphore, #tpu.memory_space<semaphore_mem>>
      %dma_start3A_99 = arith.constant 0 : i32
      %dma_start3A_100 = tpu.memref_slice %arg8[%arg0, %add3A_93, %dma_start3A_99] : memref<2x10240x128xf32, #tpu.memory_space<hbm>> -> memref<1x128x16xf32, #tpu.memory_space<hbm>>
      %dma_start3A_101 = tpu.memref_squeeze %dma_start3A_100 : memref<1x128x16xf32, #tpu.memory_space<hbm>> -> memref<128x16xf32, #tpu.memory_space<hbm>>
      %dma_start3A_102 = arith.constant 0 : i32
      %dma_start3A_103 = tpu.memref_slice %arg13[%add3A_93, %dma_start3A_102] : memref<10240x16xf32, #tpu.memory_space<vmem_shared>> -> memref<128x16xf32, #tpu.memory_space<vmem_shared>>
      tpu.enqueue_dma source(%dma_start3A_103 : memref<128x16xf32, #tpu.memory_space<vmem_shared>>) target(%dma_start3A_101 : memref<128x16xf32, #tpu.memory_space<hbm>>) target_semaphore(%run_scoped3A_98 : memref<!tpu.dma_semaphore, #tpu.memory_space<semaphore_mem>>)
      %dma_wait3A_104 = arith.constant 0 : i32
      %dma_wait3A_105 = tpu.memref_slice %arg8[%arg0, %add3A_93, %dma_wait3A_104] : memref<2x10240x128xf32, #tpu.memory_space<hbm>> -> memref<1x128x16xf32, #tpu.memory_space<hbm>>
      %dma_wait3A_106 = tpu.memref_squeeze %dma_wait3A_105 : memref<1x128x16xf32, #tpu.memory_space<hbm>> -> memref<128x16xf32, #tpu.memory_space<hbm>>
      %dma_wait3A_107 = arith.constant 0 : i32
      %dma_wait3A_108 = tpu.memref_slice %arg13[%add3A_93, %dma_wait3A_107] : memref<10240x16xf32, #tpu.memory_space<vmem_shared>> -> memref<128x16xf32, #tpu.memory_space<vmem_shared>>
      tpu.wait_dma2 semaphore(%run_scoped3A_98 : memref<!tpu.dma_semaphore, #tpu.memory_space<semaphore_mem>>) src(%dma_wait3A_108 : memref<128x16xf32, #tpu.memory_space<vmem_shared>>) dst(%dma_wait3A_106 : memref<128x16xf32, #tpu.memory_space<hbm>>)
      tpu.yield
    }) : () -> ()
    "tpu.region"() ({
      %run_scoped3A_98 = tpu.sem_alloc : memref<!tpu.dma_semaphore, #tpu.memory_space<semaphore_mem>>
      %dma_start3A_99 = arith.constant 16 : i32
      %dma_start3A_100 = tpu.memref_slice %arg8[%arg0, %add3A_93, %dma_start3A_99] : memref<2x10240x128xf32, #tpu.memory_space<hbm>> -> memref<1x128x16xf32, #tpu.memory_space<hbm>>
      %dma_start3A_101 = tpu.memref_squeeze %dma_start3A_100 : memref<1x128x16xf32, #tpu.memory_space<hbm>> -> memref<128x16xf32, #tpu.memory_space<hbm>>
      %dma_start3A_102 = arith.constant 0 : i32
      %dma_start3A_103 = tpu.memref_slice %arg13[%add3A_93, %dma_start3A_102] : memref<10240x16xf32, #tpu.memory_space<vmem_shared>> -> memref<128x16xf32, #tpu.memory_space<vmem_shared>>
      tpu.enqueue_dma source(%dma_start3A_103 : memref<128x16xf32, #tpu.memory_space<vmem_shared>>) target(%dma_start3A_101 : memref<128x16xf32, #tpu.memory_space<hbm>>) target_semaphore(%run_scoped3A_98 : memref<!tpu.dma_semaphore, #tpu.memory_space<semaphore_mem>>)
      %dma_wait3A_104 = arith.constant 16 : i32
      %dma_wait3A_105 = tpu.memref_slice %arg8[%arg0, %add3A_93, %dma_wait3A_104] : memref<2x10240x128xf32, #tpu.memory_space<hbm>> -> memref<1x128x16xf32, #tpu.memory_space<hbm>>
      %dma_wait3A_106 = tpu.memref_squeeze %dma_wait3A_105 : memref<1x128x16xf32, #tpu.memory_space<hbm>> -> memref<128x16xf32, #tpu.memory_space<hbm>>
      %dma_wait3A_107 = arith.constant 0 : i32
      %dma_wait3A_108 = tpu.memref_slice %arg13[%add3A_93, %dma_wait3A_107] : memref<10240x16xf32, #tpu.memory_space<vmem_shared>> -> memref<128x16xf32, #tpu.memory_space<vmem_shared>>
      tpu.wait_dma2 semaphore(%run_scoped3A_98 : memref<!tpu.dma_semaphore, #tpu.memory_space<semaphore_mem>>) src(%dma_wait3A_108 : memref<128x16xf32, #tpu.memory_space<vmem_shared>>) dst(%dma_wait3A_106 : memref<128x16xf32, #tpu.memory_space<hbm>>)
      tpu.yield
    }) : () -> ()
    "tpu.region"() ({
      %run_scoped3A_98 = tpu.sem_alloc : memref<!tpu.dma_semaphore, #tpu.memory_space<semaphore_mem>>
      %dma_start3A_99 = arith.constant 32 : i32
      %dma_start3A_100 = tpu.memref_slice %arg8[%arg0, %add3A_93, %dma_start3A_99] : memref<2x10240x128xf32, #tpu.memory_space<hbm>> -> memref<1x128x16xf32, #tpu.memory_space<hbm>>
      %dma_start3A_101 = tpu.memref_squeeze %dma_start3A_100 : memref<1x128x16xf32, #tpu.memory_space<hbm>> -> memref<128x16xf32, #tpu.memory_space<hbm>>
      %dma_start3A_102 = arith.constant 0 : i32
      %dma_start3A_103 = tpu.memref_slice %arg13[%add3A_93, %dma_start3A_102] : memref<10240x16xf32, #tpu.memory_space<vmem_shared>> -> memref<128x16xf32, #tpu.memory_space<vmem_shared>>
      tpu.enqueue_dma source(%dma_start3A_103 : memref<128x16xf32, #tpu.memory_space<vmem_shared>>) target(%dma_start3A_101 : memref<128x16xf32, #tpu.memory_space<hbm>>) target_semaphore(%run_scoped3A_98 : memref<!tpu.dma_semaphore, #tpu.memory_space<semaphore_mem>>)
      %dma_wait3A_104 = arith.constant 32 : i32
      %dma_wait3A_105 = tpu.memref_slice %arg8[%arg0, %add3A_93, %dma_wait3A_104] : memref<2x10240x128xf32, #tpu.memory_space<hbm>> -> memref<1x128x16xf32, #tpu.memory_space<hbm>>
      %dma_wait3A_106 = tpu.memref_squeeze %dma_wait3A_105 : memref<1x128x16xf32, #tpu.memory_space<hbm>> -> memref<128x16xf32, #tpu.memory_space<hbm>>
      %dma_wait3A_107 = arith.constant 0 : i32
      %dma_wait3A_108 = tpu.memref_slice %arg13[%add3A_93, %dma_wait3A_107] : memref<10240x16xf32, #tpu.memory_space<vmem_shared>> -> memref<128x16xf32, #tpu.memory_space<vmem_shared>>
      tpu.wait_dma2 semaphore(%run_scoped3A_98 : memref<!tpu.dma_semaphore, #tpu.memory_space<semaphore_mem>>) src(%dma_wait3A_108 : memref<128x16xf32, #tpu.memory_space<vmem_shared>>) dst(%dma_wait3A_106 : memref<128x16xf32, #tpu.memory_space<hbm>>)
      tpu.yield
    }) : () -> ()
    "tpu.region"() ({
      %run_scoped3A_98 = tpu.sem_alloc : memref<!tpu.dma_semaphore, #tpu.memory_space<semaphore_mem>>
      %dma_start3A_99 = arith.constant 48 : i32
      %dma_start3A_100 = tpu.memref_slice %arg8[%arg0, %add3A_93, %dma_start3A_99] : memref<2x10240x128xf32, #tpu.memory_space<hbm>> -> memref<1x128x16xf32, #tpu.memory_space<hbm>>
      %dma_start3A_101 = tpu.memref_squeeze %dma_start3A_100 : memref<1x128x16xf32, #tpu.memory_space<hbm>> -> memref<128x16xf32, #tpu.memory_space<hbm>>
      %dma_start3A_102 = arith.constant 0 : i32
      %dma_start3A_103 = tpu.memref_slice %arg13[%add3A_93, %dma_start3A_102] : memref<10240x16xf32, #tpu.memory_space<vmem_shared>> -> memref<128x16xf32, #tpu.memory_space<vmem_shared>>
      tpu.enqueue_dma source(%dma_start3A_103 : memref<128x16xf32, #tpu.memory_space<vmem_shared>>) target(%dma_start3A_101 : memref<128x16xf32, #tpu.memory_space<hbm>>) target_semaphore(%run_scoped3A_98 : memref<!tpu.dma_semaphore, #tpu.memory_space<semaphore_mem>>)
      %dma_wait3A_104 = arith.constant 48 : i32
      %dma_wait3A_105 = tpu.memref_slice %arg8[%arg0, %add3A_93, %dma_wait3A_104] : memref<2x10240x128xf32, #tpu.memory_space<hbm>> -> memref<1x128x16xf32, #tpu.memory_space<hbm>>
      %dma_wait3A_106 = tpu.memref_squeeze %dma_wait3A_105 : memref<1x128x16xf32, #tpu.memory_space<hbm>> -> memref<128x16xf32, #tpu.memory_space<hbm>>
      %dma_wait3A_107 = arith.constant 0 : i32
      %dma_wait3A_108 = tpu.memref_slice %arg13[%add3A_93, %dma_wait3A_107] : memref<10240x16xf32, #tpu.memory_space<vmem_shared>> -> memref<128x16xf32, #tpu.memory_space<vmem_shared>>
      tpu.wait_dma2 semaphore(%run_scoped3A_98 : memref<!tpu.dma_semaphore, #tpu.memory_space<semaphore_mem>>) src(%dma_wait3A_108 : memref<128x16xf32, #tpu.memory_space<vmem_shared>>) dst(%dma_wait3A_106 : memref<128x16xf32, #tpu.memory_space<hbm>>)
      tpu.yield
    }) : () -> ()
    "tpu.region"() ({
      %run_scoped3A_98 = tpu.sem_alloc : memref<!tpu.dma_semaphore, #tpu.memory_space<semaphore_mem>>
      %dma_start3A_99 = arith.constant 64 : i32
      %dma_start3A_100 = tpu.memref_slice %arg8[%arg0, %add3A_93, %dma_start3A_99] : memref<2x10240x128xf32, #tpu.memory_space<hbm>> -> memref<1x128x16xf32, #tpu.memory_space<hbm>>
      %dma_start3A_101 = tpu.memref_squeeze %dma_start3A_100 : memref<1x128x16xf32, #tpu.memory_space<hbm>> -> memref<128x16xf32, #tpu.memory_space<hbm>>
      %dma_start3A_102 = arith.constant 0 : i32
      %dma_start3A_103 = tpu.memref_slice %arg13[%add3A_93, %dma_start3A_102] : memref<10240x16xf32, #tpu.memory_space<vmem_shared>> -> memref<128x16xf32, #tpu.memory_space<vmem_shared>>
      tpu.enqueue_dma source(%dma_start3A_103 : memref<128x16xf32, #tpu.memory_space<vmem_shared>>) target(%dma_start3A_101 : memref<128x16xf32, #tpu.memory_space<hbm>>) target_semaphore(%run_scoped3A_98 : memref<!tpu.dma_semaphore, #tpu.memory_space<semaphore_mem>>)
      %dma_wait3A_104 = arith.constant 64 : i32
      %dma_wait3A_105 = tpu.memref_slice %arg8[%arg0, %add3A_93, %dma_wait3A_104] : memref<2x10240x128xf32, #tpu.memory_space<hbm>> -> memref<1x128x16xf32, #tpu.memory_space<hbm>>
      %dma_wait3A_106 = tpu.memref_squeeze %dma_wait3A_105 : memref<1x128x16xf32, #tpu.memory_space<hbm>> -> memref<128x16xf32, #tpu.memory_space<hbm>>
      %dma_wait3A_107 = arith.constant 0 : i32
      %dma_wait3A_108 = tpu.memref_slice %arg13[%add3A_93, %dma_wait3A_107] : memref<10240x16xf32, #tpu.memory_space<vmem_shared>> -> memref<128x16xf32, #tpu.memory_space<vmem_shared>>
      tpu.wait_dma2 semaphore(%run_scoped3A_98 : memref<!tpu.dma_semaphore, #tpu.memory_space<semaphore_mem>>) src(%dma_wait3A_108 : memref<128x16xf32, #tpu.memory_space<vmem_shared>>) dst(%dma_wait3A_106 : memref<128x16xf32, #tpu.memory_space<hbm>>)
      tpu.yield
    }) : () -> ()
    "tpu.region"() ({
      %run_scoped3A_98 = tpu.sem_alloc : memref<!tpu.dma_semaphore, #tpu.memory_space<semaphore_mem>>
      %dma_start3A_99 = arith.constant 80 : i32
      %dma_start3A_100 = tpu.memref_slice %arg8[%arg0, %add3A_93, %dma_start3A_99] : memref<2x10240x128xf32, #tpu.memory_space<hbm>> -> memref<1x128x16xf32, #tpu.memory_space<hbm>>
      %dma_start3A_101 = tpu.memref_squeeze %dma_start3A_100 : memref<1x128x16xf32, #tpu.memory_space<hbm>> -> memref<128x16xf32, #tpu.memory_space<hbm>>
      %dma_start3A_102 = arith.constant 0 : i32
      %dma_start3A_103 = tpu.memref_slice %arg13[%add3A_93, %dma_start3A_102] : memref<10240x16xf32, #tpu.memory_space<vmem_shared>> -> memref<128x16xf32, #tpu.memory_space<vmem_shared>>
      tpu.enqueue_dma source(%dma_start3A_103 : memref<128x16xf32, #tpu.memory_space<vmem_shared>>) target(%dma_start3A_101 : memref<128x16xf32, #tpu.memory_space<hbm>>) target_semaphore(%run_scoped3A_98 : memref<!tpu.dma_semaphore, #tpu.memory_space<semaphore_mem>>)
      %dma_wait3A_104 = arith.constant 80 : i32
      %dma_wait3A_105 = tpu.memref_slice %arg8[%arg0, %add3A_93, %dma_wait3A_104] : memref<2x10240x128xf32, #tpu.memory_space<hbm>> -> memref<1x128x16xf32, #tpu.memory_space<hbm>>
      %dma_wait3A_106 = tpu.memref_squeeze %dma_wait3A_105 : memref<1x128x16xf32, #tpu.memory_space<hbm>> -> memref<128x16xf32, #tpu.memory_space<hbm>>
      %dma_wait3A_107 = arith.constant 0 : i32
      %dma_wait3A_108 = tpu.memref_slice %arg13[%add3A_93, %dma_wait3A_107] : memref<10240x16xf32, #tpu.memory_space<vmem_shared>> -> memref<128x16xf32, #tpu.memory_space<vmem_shared>>
      tpu.wait_dma2 semaphore(%run_scoped3A_98 : memref<!tpu.dma_semaphore, #tpu.memory_space<semaphore_mem>>) src(%dma_wait3A_108 : memref<128x16xf32, #tpu.memory_space<vmem_shared>>) dst(%dma_wait3A_106 : memref<128x16xf32, #tpu.memory_space<hbm>>)
      tpu.yield
    }) : () -> ()
    "tpu.region"() ({
      %run_scoped3A_98 = tpu.sem_alloc : memref<!tpu.dma_semaphore, #tpu.memory_space<semaphore_mem>>
      %dma_start3A_99 = arith.constant 96 : i32
      %dma_start3A_100 = tpu.memref_slice %arg8[%arg0, %add3A_93, %dma_start3A_99] : memref<2x10240x128xf32, #tpu.memory_space<hbm>> -> memref<1x128x16xf32, #tpu.memory_space<hbm>>
      %dma_start3A_101 = tpu.memref_squeeze %dma_start3A_100 : memref<1x128x16xf32, #tpu.memory_space<hbm>> -> memref<128x16xf32, #tpu.memory_space<hbm>>
      %dma_start3A_102 = arith.constant 0 : i32
      %dma_start3A_103 = tpu.memref_slice %arg13[%add3A_93, %dma_start3A_102] : memref<10240x16xf32, #tpu.memory_space<vmem_shared>> -> memref<128x16xf32, #tpu.memory_space<vmem_shared>>
      tpu.enqueue_dma source(%dma_start3A_103 : memref<128x16xf32, #tpu.memory_space<vmem_shared>>) target(%dma_start3A_101 : memref<128x16xf32, #tpu.memory_space<hbm>>) target_semaphore(%run_scoped3A_98 : memref<!tpu.dma_semaphore, #tpu.memory_space<semaphore_mem>>)
      %dma_wait3A_104 = arith.constant 96 : i32
      %dma_wait3A_105 = tpu.memref_slice %arg8[%arg0, %add3A_93, %dma_wait3A_104] : memref<2x10240x128xf32, #tpu.memory_space<hbm>> -> memref<1x128x16xf32, #tpu.memory_space<hbm>>
      %dma_wait3A_106 = tpu.memref_squeeze %dma_wait3A_105 : memref<1x128x16xf32, #tpu.memory_space<hbm>> -> memref<128x16xf32, #tpu.memory_space<hbm>>
      %dma_wait3A_107 = arith.constant 0 : i32
      %dma_wait3A_108 = tpu.memref_slice %arg13[%add3A_93, %dma_wait3A_107] : memref<10240x16xf32, #tpu.memory_space<vmem_shared>> -> memref<128x16xf32, #tpu.memory_space<vmem_shared>>
      tpu.wait_dma2 semaphore(%run_scoped3A_98 : memref<!tpu.dma_semaphore, #tpu.memory_space<semaphore_mem>>) src(%dma_wait3A_108 : memref<128x16xf32, #tpu.memory_space<vmem_shared>>) dst(%dma_wait3A_106 : memref<128x16xf32, #tpu.memory_space<hbm>>)
      tpu.yield
    }) : () -> ()
    "tpu.region"() ({
      %run_scoped3A_98 = tpu.sem_alloc : memref<!tpu.dma_semaphore, #tpu.memory_space<semaphore_mem>>
      %dma_start3A_99 = arith.constant 112 : i32
      %dma_start3A_100 = tpu.memref_slice %arg8[%arg0, %add3A_93, %dma_start3A_99] : memref<2x10240x128xf32, #tpu.memory_space<hbm>> -> memref<1x128x16xf32, #tpu.memory_space<hbm>>
      %dma_start3A_101 = tpu.memref_squeeze %dma_start3A_100 : memref<1x128x16xf32, #tpu.memory_space<hbm>> -> memref<128x16xf32, #tpu.memory_space<hbm>>
      %dma_start3A_102 = arith.constant 0 : i32
      %dma_start3A_103 = tpu.memref_slice %arg13[%add3A_93, %dma_start3A_102] : memref<10240x16xf32, #tpu.memory_space<vmem_shared>> -> memref<128x16xf32, #tpu.memory_space<vmem_shared>>
      tpu.enqueue_dma source(%dma_start3A_103 : memref<128x16xf32, #tpu.memory_space<vmem_shared>>) target(%dma_start3A_101 : memref<128x16xf32, #tpu.memory_space<hbm>>) target_semaphore(%run_scoped3A_98 : memref<!tpu.dma_semaphore, #tpu.memory_space<semaphore_mem>>)
      %dma_wait3A_104 = arith.constant 112 : i32
      %dma_wait3A_105 = tpu.memref_slice %arg8[%arg0, %add3A_93, %dma_wait3A_104] : memref<2x10240x128xf32, #tpu.memory_space<hbm>> -> memref<1x128x16xf32, #tpu.memory_space<hbm>>
      %dma_wait3A_106 = tpu.memref_squeeze %dma_wait3A_105 : memref<1x128x16xf32, #tpu.memory_space<hbm>> -> memref<128x16xf32, #tpu.memory_space<hbm>>
      %dma_wait3A_107 = arith.constant 0 : i32
      %dma_wait3A_108 = tpu.memref_slice %arg13[%add3A_93, %dma_wait3A_107] : memref<10240x16xf32, #tpu.memory_space<vmem_shared>> -> memref<128x16xf32, #tpu.memory_space<vmem_shared>>
      tpu.wait_dma2 semaphore(%run_scoped3A_98 : memref<!tpu.dma_semaphore, #tpu.memory_space<semaphore_mem>>) src(%dma_wait3A_108 : memref<128x16xf32, #tpu.memory_space<vmem_shared>>) dst(%dma_wait3A_106 : memref<128x16xf32, #tpu.memory_space<hbm>>)
      tpu.yield
    }) : () -> ()
    %add3A_94 = arith.constant 384 : i32
    %add3A_95 = arith.addi %mul3A_40, %add3A_94 : i32
    "tpu.region"() ({
      %run_scoped3A_98 = tpu.sem_alloc : memref<!tpu.dma_semaphore, #tpu.memory_space<semaphore_mem>>
      %dma_start3A_99 = arith.constant 0 : i32
      %dma_start3A_100 = tpu.memref_slice %arg7[%arg0, %add3A_95, %dma_start3A_99] : memref<2x10240x128xf32, #tpu.memory_space<hbm>> -> memref<1x128x128xf32, #tpu.memory_space<hbm>>
      %dma_start3A_101 = tpu.memref_squeeze %dma_start3A_100 : memref<1x128x128xf32, #tpu.memory_space<hbm>> -> memref<128x128xf32, #tpu.memory_space<hbm>>
      %dma_start3A_102 = arith.constant 0 : i32
      %dma_start3A_103 = tpu.memref_slice %arg12[%add3A_95, %dma_start3A_102] : memref<10240x128xf32, #tpu.memory_space<vmem_shared>> -> memref<128x128xf32, #tpu.memory_space<vmem_shared>>
      tpu.enqueue_dma source(%dma_start3A_103 : memref<128x128xf32, #tpu.memory_space<vmem_shared>>) target(%dma_start3A_101 : memref<128x128xf32, #tpu.memory_space<hbm>>) target_semaphore(%run_scoped3A_98 : memref<!tpu.dma_semaphore, #tpu.memory_space<semaphore_mem>>)
      %dma_wait3A_104 = arith.constant 0 : i32
      %dma_wait3A_105 = tpu.memref_slice %arg7[%arg0, %add3A_95, %dma_wait3A_104] : memref<2x10240x128xf32, #tpu.memory_space<hbm>> -> memref<1x128x128xf32, #tpu.memory_space<hbm>>
      %dma_wait3A_106 = tpu.memref_squeeze %dma_wait3A_105 : memref<1x128x128xf32, #tpu.memory_space<hbm>> -> memref<128x128xf32, #tpu.memory_space<hbm>>
      %dma_wait3A_107 = arith.constant 0 : i32
      %dma_wait3A_108 = tpu.memref_slice %arg12[%add3A_95, %dma_wait3A_107] : memref<10240x128xf32, #tpu.memory_space<vmem_shared>> -> memref<128x128xf32, #tpu.memory_space<vmem_shared>>
      tpu.wait_dma2 semaphore(%run_scoped3A_98 : memref<!tpu.dma_semaphore, #tpu.memory_space<semaphore_mem>>) src(%dma_wait3A_108 : memref<128x128xf32, #tpu.memory_space<vmem_shared>>) dst(%dma_wait3A_106 : memref<128x128xf32, #tpu.memory_space<hbm>>)
      tpu.yield
    }) : () -> ()
    "tpu.region"() ({
      %run_scoped3A_98 = tpu.sem_alloc : memref<!tpu.dma_semaphore, #tpu.memory_space<semaphore_mem>>
      %dma_start3A_99 = arith.constant 0 : i32
      %dma_start3A_100 = tpu.memref_slice %arg8[%arg0, %add3A_95, %dma_start3A_99] : memref<2x10240x128xf32, #tpu.memory_space<hbm>> -> memref<1x128x16xf32, #tpu.memory_space<hbm>>
      %dma_start3A_101 = tpu.memref_squeeze %dma_start3A_100 : memref<1x128x16xf32, #tpu.memory_space<hbm>> -> memref<128x16xf32, #tpu.memory_space<hbm>>
      %dma_start3A_102 = arith.constant 0 : i32
      %dma_start3A_103 = tpu.memref_slice %arg13[%add3A_95, %dma_start3A_102] : memref<10240x16xf32, #tpu.memory_space<vmem_shared>> -> memref<128x16xf32, #tpu.memory_space<vmem_shared>>
      tpu.enqueue_dma source(%dma_start3A_103 : memref<128x16xf32, #tpu.memory_space<vmem_shared>>) target(%dma_start3A_101 : memref<128x16xf32, #tpu.memory_space<hbm>>) target_semaphore(%run_scoped3A_98 : memref<!tpu.dma_semaphore, #tpu.memory_space<semaphore_mem>>)
      %dma_wait3A_104 = arith.constant 0 : i32
      %dma_wait3A_105 = tpu.memref_slice %arg8[%arg0, %add3A_95, %dma_wait3A_104] : memref<2x10240x128xf32, #tpu.memory_space<hbm>> -> memref<1x128x16xf32, #tpu.memory_space<hbm>>
      %dma_wait3A_106 = tpu.memref_squeeze %dma_wait3A_105 : memref<1x128x16xf32, #tpu.memory_space<hbm>> -> memref<128x16xf32, #tpu.memory_space<hbm>>
      %dma_wait3A_107 = arith.constant 0 : i32
      %dma_wait3A_108 = tpu.memref_slice %arg13[%add3A_95, %dma_wait3A_107] : memref<10240x16xf32, #tpu.memory_space<vmem_shared>> -> memref<128x16xf32, #tpu.memory_space<vmem_shared>>
      tpu.wait_dma2 semaphore(%run_scoped3A_98 : memref<!tpu.dma_semaphore, #tpu.memory_space<semaphore_mem>>) src(%dma_wait3A_108 : memref<128x16xf32, #tpu.memory_space<vmem_shared>>) dst(%dma_wait3A_106 : memref<128x16xf32, #tpu.memory_space<hbm>>)
      tpu.yield
    }) : () -> ()
    "tpu.region"() ({
      %run_scoped3A_98 = tpu.sem_alloc : memref<!tpu.dma_semaphore, #tpu.memory_space<semaphore_mem>>
      %dma_start3A_99 = arith.constant 16 : i32
      %dma_start3A_100 = tpu.memref_slice %arg8[%arg0, %add3A_95, %dma_start3A_99] : memref<2x10240x128xf32, #tpu.memory_space<hbm>> -> memref<1x128x16xf32, #tpu.memory_space<hbm>>
      %dma_start3A_101 = tpu.memref_squeeze %dma_start3A_100 : memref<1x128x16xf32, #tpu.memory_space<hbm>> -> memref<128x16xf32, #tpu.memory_space<hbm>>
      %dma_start3A_102 = arith.constant 0 : i32
      %dma_start3A_103 = tpu.memref_slice %arg13[%add3A_95, %dma_start3A_102] : memref<10240x16xf32, #tpu.memory_space<vmem_shared>> -> memref<128x16xf32, #tpu.memory_space<vmem_shared>>
      tpu.enqueue_dma source(%dma_start3A_103 : memref<128x16xf32, #tpu.memory_space<vmem_shared>>) target(%dma_start3A_101 : memref<128x16xf32, #tpu.memory_space<hbm>>) target_semaphore(%run_scoped3A_98 : memref<!tpu.dma_semaphore, #tpu.memory_space<semaphore_mem>>)
      %dma_wait3A_104 = arith.constant 16 : i32
      %dma_wait3A_105 = tpu.memref_slice %arg8[%arg0, %add3A_95, %dma_wait3A_104] : memref<2x10240x128xf32, #tpu.memory_space<hbm>> -> memref<1x128x16xf32, #tpu.memory_space<hbm>>
      %dma_wait3A_106 = tpu.memref_squeeze %dma_wait3A_105 : memref<1x128x16xf32, #tpu.memory_space<hbm>> -> memref<128x16xf32, #tpu.memory_space<hbm>>
      %dma_wait3A_107 = arith.constant 0 : i32
      %dma_wait3A_108 = tpu.memref_slice %arg13[%add3A_95, %dma_wait3A_107] : memref<10240x16xf32, #tpu.memory_space<vmem_shared>> -> memref<128x16xf32, #tpu.memory_space<vmem_shared>>
      tpu.wait_dma2 semaphore(%run_scoped3A_98 : memref<!tpu.dma_semaphore, #tpu.memory_space<semaphore_mem>>) src(%dma_wait3A_108 : memref<128x16xf32, #tpu.memory_space<vmem_shared>>) dst(%dma_wait3A_106 : memref<128x16xf32, #tpu.memory_space<hbm>>)
      tpu.yield
    }) : () -> ()
    "tpu.region"() ({
      %run_scoped3A_98 = tpu.sem_alloc : memref<!tpu.dma_semaphore, #tpu.memory_space<semaphore_mem>>
      %dma_start3A_99 = arith.constant 32 : i32
      %dma_start3A_100 = tpu.memref_slice %arg8[%arg0, %add3A_95, %dma_start3A_99] : memref<2x10240x128xf32, #tpu.memory_space<hbm>> -> memref<1x128x16xf32, #tpu.memory_space<hbm>>
      %dma_start3A_101 = tpu.memref_squeeze %dma_start3A_100 : memref<1x128x16xf32, #tpu.memory_space<hbm>> -> memref<128x16xf32, #tpu.memory_space<hbm>>
      %dma_start3A_102 = arith.constant 0 : i32
      %dma_start3A_103 = tpu.memref_slice %arg13[%add3A_95, %dma_start3A_102] : memref<10240x16xf32, #tpu.memory_space<vmem_shared>> -> memref<128x16xf32, #tpu.memory_space<vmem_shared>>
      tpu.enqueue_dma source(%dma_start3A_103 : memref<128x16xf32, #tpu.memory_space<vmem_shared>>) target(%dma_start3A_101 : memref<128x16xf32, #tpu.memory_space<hbm>>) target_semaphore(%run_scoped3A_98 : memref<!tpu.dma_semaphore, #tpu.memory_space<semaphore_mem>>)
      %dma_wait3A_104 = arith.constant 32 : i32
      %dma_wait3A_105 = tpu.memref_slice %arg8[%arg0, %add3A_95, %dma_wait3A_104] : memref<2x10240x128xf32, #tpu.memory_space<hbm>> -> memref<1x128x16xf32, #tpu.memory_space<hbm>>
      %dma_wait3A_106 = tpu.memref_squeeze %dma_wait3A_105 : memref<1x128x16xf32, #tpu.memory_space<hbm>> -> memref<128x16xf32, #tpu.memory_space<hbm>>
      %dma_wait3A_107 = arith.constant 0 : i32
      %dma_wait3A_108 = tpu.memref_slice %arg13[%add3A_95, %dma_wait3A_107] : memref<10240x16xf32, #tpu.memory_space<vmem_shared>> -> memref<128x16xf32, #tpu.memory_space<vmem_shared>>
      tpu.wait_dma2 semaphore(%run_scoped3A_98 : memref<!tpu.dma_semaphore, #tpu.memory_space<semaphore_mem>>) src(%dma_wait3A_108 : memref<128x16xf32, #tpu.memory_space<vmem_shared>>) dst(%dma_wait3A_106 : memref<128x16xf32, #tpu.memory_space<hbm>>)
      tpu.yield
    }) : () -> ()
    "tpu.region"() ({
      %run_scoped3A_98 = tpu.sem_alloc : memref<!tpu.dma_semaphore, #tpu.memory_space<semaphore_mem>>
      %dma_start3A_99 = arith.constant 48 : i32
      %dma_start3A_100 = tpu.memref_slice %arg8[%arg0, %add3A_95, %dma_start3A_99] : memref<2x10240x128xf32, #tpu.memory_space<hbm>> -> memref<1x128x16xf32, #tpu.memory_space<hbm>>
      %dma_start3A_101 = tpu.memref_squeeze %dma_start3A_100 : memref<1x128x16xf32, #tpu.memory_space<hbm>> -> memref<128x16xf32, #tpu.memory_space<hbm>>
      %dma_start3A_102 = arith.constant 0 : i32
      %dma_start3A_103 = tpu.memref_slice %arg13[%add3A_95, %dma_start3A_102] : memref<10240x16xf32, #tpu.memory_space<vmem_shared>> -> memref<128x16xf32, #tpu.memory_space<vmem_shared>>
      tpu.enqueue_dma source(%dma_start3A_103 : memref<128x16xf32, #tpu.memory_space<vmem_shared>>) target(%dma_start3A_101 : memref<128x16xf32, #tpu.memory_space<hbm>>) target_semaphore(%run_scoped3A_98 : memref<!tpu.dma_semaphore, #tpu.memory_space<semaphore_mem>>)
      %dma_wait3A_104 = arith.constant 48 : i32
      %dma_wait3A_105 = tpu.memref_slice %arg8[%arg0, %add3A_95, %dma_wait3A_104] : memref<2x10240x128xf32, #tpu.memory_space<hbm>> -> memref<1x128x16xf32, #tpu.memory_space<hbm>>
      %dma_wait3A_106 = tpu.memref_squeeze %dma_wait3A_105 : memref<1x128x16xf32, #tpu.memory_space<hbm>> -> memref<128x16xf32, #tpu.memory_space<hbm>>
      %dma_wait3A_107 = arith.constant 0 : i32
      %dma_wait3A_108 = tpu.memref_slice %arg13[%add3A_95, %dma_wait3A_107] : memref<10240x16xf32, #tpu.memory_space<vmem_shared>> -> memref<128x16xf32, #tpu.memory_space<vmem_shared>>
      tpu.wait_dma2 semaphore(%run_scoped3A_98 : memref<!tpu.dma_semaphore, #tpu.memory_space<semaphore_mem>>) src(%dma_wait3A_108 : memref<128x16xf32, #tpu.memory_space<vmem_shared>>) dst(%dma_wait3A_106 : memref<128x16xf32, #tpu.memory_space<hbm>>)
      tpu.yield
    }) : () -> ()
    "tpu.region"() ({
      %run_scoped3A_98 = tpu.sem_alloc : memref<!tpu.dma_semaphore, #tpu.memory_space<semaphore_mem>>
      %dma_start3A_99 = arith.constant 64 : i32
      %dma_start3A_100 = tpu.memref_slice %arg8[%arg0, %add3A_95, %dma_start3A_99] : memref<2x10240x128xf32, #tpu.memory_space<hbm>> -> memref<1x128x16xf32, #tpu.memory_space<hbm>>
      %dma_start3A_101 = tpu.memref_squeeze %dma_start3A_100 : memref<1x128x16xf32, #tpu.memory_space<hbm>> -> memref<128x16xf32, #tpu.memory_space<hbm>>
      %dma_start3A_102 = arith.constant 0 : i32
      %dma_start3A_103 = tpu.memref_slice %arg13[%add3A_95, %dma_start3A_102] : memref<10240x16xf32, #tpu.memory_space<vmem_shared>> -> memref<128x16xf32, #tpu.memory_space<vmem_shared>>
      tpu.enqueue_dma source(%dma_start3A_103 : memref<128x16xf32, #tpu.memory_space<vmem_shared>>) target(%dma_start3A_101 : memref<128x16xf32, #tpu.memory_space<hbm>>) target_semaphore(%run_scoped3A_98 : memref<!tpu.dma_semaphore, #tpu.memory_space<semaphore_mem>>)
      %dma_wait3A_104 = arith.constant 64 : i32
      %dma_wait3A_105 = tpu.memref_slice %arg8[%arg0, %add3A_95, %dma_wait3A_104] : memref<2x10240x128xf32, #tpu.memory_space<hbm>> -> memref<1x128x16xf32, #tpu.memory_space<hbm>>
      %dma_wait3A_106 = tpu.memref_squeeze %dma_wait3A_105 : memref<1x128x16xf32, #tpu.memory_space<hbm>> -> memref<128x16xf32, #tpu.memory_space<hbm>>
      %dma_wait3A_107 = arith.constant 0 : i32
      %dma_wait3A_108 = tpu.memref_slice %arg13[%add3A_95, %dma_wait3A_107] : memref<10240x16xf32, #tpu.memory_space<vmem_shared>> -> memref<128x16xf32, #tpu.memory_space<vmem_shared>>
      tpu.wait_dma2 semaphore(%run_scoped3A_98 : memref<!tpu.dma_semaphore, #tpu.memory_space<semaphore_mem>>) src(%dma_wait3A_108 : memref<128x16xf32, #tpu.memory_space<vmem_shared>>) dst(%dma_wait3A_106 : memref<128x16xf32, #tpu.memory_space<hbm>>)
      tpu.yield
    }) : () -> ()
    "tpu.region"() ({
      %run_scoped3A_98 = tpu.sem_alloc : memref<!tpu.dma_semaphore, #tpu.memory_space<semaphore_mem>>
      %dma_start3A_99 = arith.constant 80 : i32
      %dma_start3A_100 = tpu.memref_slice %arg8[%arg0, %add3A_95, %dma_start3A_99] : memref<2x10240x128xf32, #tpu.memory_space<hbm>> -> memref<1x128x16xf32, #tpu.memory_space<hbm>>
      %dma_start3A_101 = tpu.memref_squeeze %dma_start3A_100 : memref<1x128x16xf32, #tpu.memory_space<hbm>> -> memref<128x16xf32, #tpu.memory_space<hbm>>
      %dma_start3A_102 = arith.constant 0 : i32
      %dma_start3A_103 = tpu.memref_slice %arg13[%add3A_95, %dma_start3A_102] : memref<10240x16xf32, #tpu.memory_space<vmem_shared>> -> memref<128x16xf32, #tpu.memory_space<vmem_shared>>
      tpu.enqueue_dma source(%dma_start3A_103 : memref<128x16xf32, #tpu.memory_space<vmem_shared>>) target(%dma_start3A_101 : memref<128x16xf32, #tpu.memory_space<hbm>>) target_semaphore(%run_scoped3A_98 : memref<!tpu.dma_semaphore, #tpu.memory_space<semaphore_mem>>)
      %dma_wait3A_104 = arith.constant 80 : i32
      %dma_wait3A_105 = tpu.memref_slice %arg8[%arg0, %add3A_95, %dma_wait3A_104] : memref<2x10240x128xf32, #tpu.memory_space<hbm>> -> memref<1x128x16xf32, #tpu.memory_space<hbm>>
      %dma_wait3A_106 = tpu.memref_squeeze %dma_wait3A_105 : memref<1x128x16xf32, #tpu.memory_space<hbm>> -> memref<128x16xf32, #tpu.memory_space<hbm>>
      %dma_wait3A_107 = arith.constant 0 : i32
      %dma_wait3A_108 = tpu.memref_slice %arg13[%add3A_95, %dma_wait3A_107] : memref<10240x16xf32, #tpu.memory_space<vmem_shared>> -> memref<128x16xf32, #tpu.memory_space<vmem_shared>>
      tpu.wait_dma2 semaphore(%run_scoped3A_98 : memref<!tpu.dma_semaphore, #tpu.memory_space<semaphore_mem>>) src(%dma_wait3A_108 : memref<128x16xf32, #tpu.memory_space<vmem_shared>>) dst(%dma_wait3A_106 : memref<128x16xf32, #tpu.memory_space<hbm>>)
      tpu.yield
    }) : () -> ()
    "tpu.region"() ({
      %run_scoped3A_98 = tpu.sem_alloc : memref<!tpu.dma_semaphore, #tpu.memory_space<semaphore_mem>>
      %dma_start3A_99 = arith.constant 96 : i32
      %dma_start3A_100 = tpu.memref_slice %arg8[%arg0, %add3A_95, %dma_start3A_99] : memref<2x10240x128xf32, #tpu.memory_space<hbm>> -> memref<1x128x16xf32, #tpu.memory_space<hbm>>
      %dma_start3A_101 = tpu.memref_squeeze %dma_start3A_100 : memref<1x128x16xf32, #tpu.memory_space<hbm>> -> memref<128x16xf32, #tpu.memory_space<hbm>>
      %dma_start3A_102 = arith.constant 0 : i32
      %dma_start3A_103 = tpu.memref_slice %arg13[%add3A_95, %dma_start3A_102] : memref<10240x16xf32, #tpu.memory_space<vmem_shared>> -> memref<128x16xf32, #tpu.memory_space<vmem_shared>>
      tpu.enqueue_dma source(%dma_start3A_103 : memref<128x16xf32, #tpu.memory_space<vmem_shared>>) target(%dma_start3A_101 : memref<128x16xf32, #tpu.memory_space<hbm>>) target_semaphore(%run_scoped3A_98 : memref<!tpu.dma_semaphore, #tpu.memory_space<semaphore_mem>>)
      %dma_wait3A_104 = arith.constant 96 : i32
      %dma_wait3A_105 = tpu.memref_slice %arg8[%arg0, %add3A_95, %dma_wait3A_104] : memref<2x10240x128xf32, #tpu.memory_space<hbm>> -> memref<1x128x16xf32, #tpu.memory_space<hbm>>
      %dma_wait3A_106 = tpu.memref_squeeze %dma_wait3A_105 : memref<1x128x16xf32, #tpu.memory_space<hbm>> -> memref<128x16xf32, #tpu.memory_space<hbm>>
      %dma_wait3A_107 = arith.constant 0 : i32
      %dma_wait3A_108 = tpu.memref_slice %arg13[%add3A_95, %dma_wait3A_107] : memref<10240x16xf32, #tpu.memory_space<vmem_shared>> -> memref<128x16xf32, #tpu.memory_space<vmem_shared>>
      tpu.wait_dma2 semaphore(%run_scoped3A_98 : memref<!tpu.dma_semaphore, #tpu.memory_space<semaphore_mem>>) src(%dma_wait3A_108 : memref<128x16xf32, #tpu.memory_space<vmem_shared>>) dst(%dma_wait3A_106 : memref<128x16xf32, #tpu.memory_space<hbm>>)
      tpu.yield
    }) : () -> ()
    "tpu.region"() ({
      %run_scoped3A_98 = tpu.sem_alloc : memref<!tpu.dma_semaphore, #tpu.memory_space<semaphore_mem>>
      %dma_start3A_99 = arith.constant 112 : i32
      %dma_start3A_100 = tpu.memref_slice %arg8[%arg0, %add3A_95, %dma_start3A_99] : memref<2x10240x128xf32, #tpu.memory_space<hbm>> -> memref<1x128x16xf32, #tpu.memory_space<hbm>>
      %dma_start3A_101 = tpu.memref_squeeze %dma_start3A_100 : memref<1x128x16xf32, #tpu.memory_space<hbm>> -> memref<128x16xf32, #tpu.memory_space<hbm>>
      %dma_start3A_102 = arith.constant 0 : i32
      %dma_start3A_103 = tpu.memref_slice %arg13[%add3A_95, %dma_start3A_102] : memref<10240x16xf32, #tpu.memory_space<vmem_shared>> -> memref<128x16xf32, #tpu.memory_space<vmem_shared>>
      tpu.enqueue_dma source(%dma_start3A_103 : memref<128x16xf32, #tpu.memory_space<vmem_shared>>) target(%dma_start3A_101 : memref<128x16xf32, #tpu.memory_space<hbm>>) target_semaphore(%run_scoped3A_98 : memref<!tpu.dma_semaphore, #tpu.memory_space<semaphore_mem>>)
      %dma_wait3A_104 = arith.constant 112 : i32
      %dma_wait3A_105 = tpu.memref_slice %arg8[%arg0, %add3A_95, %dma_wait3A_104] : memref<2x10240x128xf32, #tpu.memory_space<hbm>> -> memref<1x128x16xf32, #tpu.memory_space<hbm>>
      %dma_wait3A_106 = tpu.memref_squeeze %dma_wait3A_105 : memref<1x128x16xf32, #tpu.memory_space<hbm>> -> memref<128x16xf32, #tpu.memory_space<hbm>>
      %dma_wait3A_107 = arith.constant 0 : i32
      %dma_wait3A_108 = tpu.memref_slice %arg13[%add3A_95, %dma_wait3A_107] : memref<10240x16xf32, #tpu.memory_space<vmem_shared>> -> memref<128x16xf32, #tpu.memory_space<vmem_shared>>
      tpu.wait_dma2 semaphore(%run_scoped3A_98 : memref<!tpu.dma_semaphore, #tpu.memory_space<semaphore_mem>>) src(%dma_wait3A_108 : memref<128x16xf32, #tpu.memory_space<vmem_shared>>) dst(%dma_wait3A_106 : memref<128x16xf32, #tpu.memory_space<hbm>>)
      tpu.yield
    }) : () -> ()
    %add3A_96 = arith.constant 512 : i32
    %add3A_97 = arith.addi %mul3A_40, %add3A_96 : i32
    "tpu.region"() ({
      %run_scoped3A_98 = tpu.sem_alloc : memref<!tpu.dma_semaphore, #tpu.memory_space<semaphore_mem>>
      %dma_start3A_99 = arith.constant 0 : i32
      %dma_start3A_100 = tpu.memref_slice %arg7[%arg0, %add3A_97, %dma_start3A_99] : memref<2x10240x128xf32, #tpu.memory_space<hbm>> -> memref<1x128x128xf32, #tpu.memory_space<hbm>>
      %dma_start3A_101 = tpu.memref_squeeze %dma_start3A_100 : memref<1x128x128xf32, #tpu.memory_space<hbm>> -> memref<128x128xf32, #tpu.memory_space<hbm>>
      %dma_start3A_102 = arith.constant 0 : i32
      %dma_start3A_103 = tpu.memref_slice %arg12[%add3A_97, %dma_start3A_102] : memref<10240x128xf32, #tpu.memory_space<vmem_shared>> -> memref<128x128xf32, #tpu.memory_space<vmem_shared>>
      tpu.enqueue_dma source(%dma_start3A_103 : memref<128x128xf32, #tpu.memory_space<vmem_shared>>) target(%dma_start3A_101 : memref<128x128xf32, #tpu.memory_space<hbm>>) target_semaphore(%run_scoped3A_98 : memref<!tpu.dma_semaphore, #tpu.memory_space<semaphore_mem>>)
      %dma_wait3A_104 = arith.constant 0 : i32
      %dma_wait3A_105 = tpu.memref_slice %arg7[%arg0, %add3A_97, %dma_wait3A_104] : memref<2x10240x128xf32, #tpu.memory_space<hbm>> -> memref<1x128x128xf32, #tpu.memory_space<hbm>>
      %dma_wait3A_106 = tpu.memref_squeeze %dma_wait3A_105 : memref<1x128x128xf32, #tpu.memory_space<hbm>> -> memref<128x128xf32, #tpu.memory_space<hbm>>
      %dma_wait3A_107 = arith.constant 0 : i32
      %dma_wait3A_108 = tpu.memref_slice %arg12[%add3A_97, %dma_wait3A_107] : memref<10240x128xf32, #tpu.memory_space<vmem_shared>> -> memref<128x128xf32, #tpu.memory_space<vmem_shared>>
      tpu.wait_dma2 semaphore(%run_scoped3A_98 : memref<!tpu.dma_semaphore, #tpu.memory_space<semaphore_mem>>) src(%dma_wait3A_108 : memref<128x128xf32, #tpu.memory_space<vmem_shared>>) dst(%dma_wait3A_106 : memref<128x128xf32, #tpu.memory_space<hbm>>)
      tpu.yield
    }) : () -> ()
    "tpu.region"() ({
      %run_scoped3A_98 = tpu.sem_alloc : memref<!tpu.dma_semaphore, #tpu.memory_space<semaphore_mem>>
      %dma_start3A_99 = arith.constant 0 : i32
      %dma_start3A_100 = tpu.memref_slice %arg8[%arg0, %add3A_97, %dma_start3A_99] : memref<2x10240x128xf32, #tpu.memory_space<hbm>> -> memref<1x128x16xf32, #tpu.memory_space<hbm>>
      %dma_start3A_101 = tpu.memref_squeeze %dma_start3A_100 : memref<1x128x16xf32, #tpu.memory_space<hbm>> -> memref<128x16xf32, #tpu.memory_space<hbm>>
      %dma_start3A_102 = arith.constant 0 : i32
      %dma_start3A_103 = tpu.memref_slice %arg13[%add3A_97, %dma_start3A_102] : memref<10240x16xf32, #tpu.memory_space<vmem_shared>> -> memref<128x16xf32, #tpu.memory_space<vmem_shared>>
      tpu.enqueue_dma source(%dma_start3A_103 : memref<128x16xf32, #tpu.memory_space<vmem_shared>>) target(%dma_start3A_101 : memref<128x16xf32, #tpu.memory_space<hbm>>) target_semaphore(%run_scoped3A_98 : memref<!tpu.dma_semaphore, #tpu.memory_space<semaphore_mem>>)
      %dma_wait3A_104 = arith.constant 0 : i32
      %dma_wait3A_105 = tpu.memref_slice %arg8[%arg0, %add3A_97, %dma_wait3A_104] : memref<2x10240x128xf32, #tpu.memory_space<hbm>> -> memref<1x128x16xf32, #tpu.memory_space<hbm>>
      %dma_wait3A_106 = tpu.memref_squeeze %dma_wait3A_105 : memref<1x128x16xf32, #tpu.memory_space<hbm>> -> memref<128x16xf32, #tpu.memory_space<hbm>>
      %dma_wait3A_107 = arith.constant 0 : i32
      %dma_wait3A_108 = tpu.memref_slice %arg13[%add3A_97, %dma_wait3A_107] : memref<10240x16xf32, #tpu.memory_space<vmem_shared>> -> memref<128x16xf32, #tpu.memory_space<vmem_shared>>
      tpu.wait_dma2 semaphore(%run_scoped3A_98 : memref<!tpu.dma_semaphore, #tpu.memory_space<semaphore_mem>>) src(%dma_wait3A_108 : memref<128x16xf32, #tpu.memory_space<vmem_shared>>) dst(%dma_wait3A_106 : memref<128x16xf32, #tpu.memory_space<hbm>>)
      tpu.yield
    }) : () -> ()
    "tpu.region"() ({
      %run_scoped3A_98 = tpu.sem_alloc : memref<!tpu.dma_semaphore, #tpu.memory_space<semaphore_mem>>
      %dma_start3A_99 = arith.constant 16 : i32
      %dma_start3A_100 = tpu.memref_slice %arg8[%arg0, %add3A_97, %dma_start3A_99] : memref<2x10240x128xf32, #tpu.memory_space<hbm>> -> memref<1x128x16xf32, #tpu.memory_space<hbm>>
      %dma_start3A_101 = tpu.memref_squeeze %dma_start3A_100 : memref<1x128x16xf32, #tpu.memory_space<hbm>> -> memref<128x16xf32, #tpu.memory_space<hbm>>
      %dma_start3A_102 = arith.constant 0 : i32
      %dma_start3A_103 = tpu.memref_slice %arg13[%add3A_97, %dma_start3A_102] : memref<10240x16xf32, #tpu.memory_space<vmem_shared>> -> memref<128x16xf32, #tpu.memory_space<vmem_shared>>
      tpu.enqueue_dma source(%dma_start3A_103 : memref<128x16xf32, #tpu.memory_space<vmem_shared>>) target(%dma_start3A_101 : memref<128x16xf32, #tpu.memory_space<hbm>>) target_semaphore(%run_scoped3A_98 : memref<!tpu.dma_semaphore, #tpu.memory_space<semaphore_mem>>)
      %dma_wait3A_104 = arith.constant 16 : i32
      %dma_wait3A_105 = tpu.memref_slice %arg8[%arg0, %add3A_97, %dma_wait3A_104] : memref<2x10240x128xf32, #tpu.memory_space<hbm>> -> memref<1x128x16xf32, #tpu.memory_space<hbm>>
      %dma_wait3A_106 = tpu.memref_squeeze %dma_wait3A_105 : memref<1x128x16xf32, #tpu.memory_space<hbm>> -> memref<128x16xf32, #tpu.memory_space<hbm>>
      %dma_wait3A_107 = arith.constant 0 : i32
      %dma_wait3A_108 = tpu.memref_slice %arg13[%add3A_97, %dma_wait3A_107] : memref<10240x16xf32, #tpu.memory_space<vmem_shared>> -> memref<128x16xf32, #tpu.memory_space<vmem_shared>>
      tpu.wait_dma2 semaphore(%run_scoped3A_98 : memref<!tpu.dma_semaphore, #tpu.memory_space<semaphore_mem>>) src(%dma_wait3A_108 : memref<128x16xf32, #tpu.memory_space<vmem_shared>>) dst(%dma_wait3A_106 : memref<128x16xf32, #tpu.memory_space<hbm>>)
      tpu.yield
    }) : () -> ()
    "tpu.region"() ({
      %run_scoped3A_98 = tpu.sem_alloc : memref<!tpu.dma_semaphore, #tpu.memory_space<semaphore_mem>>
      %dma_start3A_99 = arith.constant 32 : i32
      %dma_start3A_100 = tpu.memref_slice %arg8[%arg0, %add3A_97, %dma_start3A_99] : memref<2x10240x128xf32, #tpu.memory_space<hbm>> -> memref<1x128x16xf32, #tpu.memory_space<hbm>>
      %dma_start3A_101 = tpu.memref_squeeze %dma_start3A_100 : memref<1x128x16xf32, #tpu.memory_space<hbm>> -> memref<128x16xf32, #tpu.memory_space<hbm>>
      %dma_start3A_102 = arith.constant 0 : i32
      %dma_start3A_103 = tpu.memref_slice %arg13[%add3A_97, %dma_start3A_102] : memref<10240x16xf32, #tpu.memory_space<vmem_shared>> -> memref<128x16xf32, #tpu.memory_space<vmem_shared>>
      tpu.enqueue_dma source(%dma_start3A_103 : memref<128x16xf32, #tpu.memory_space<vmem_shared>>) target(%dma_start3A_101 : memref<128x16xf32, #tpu.memory_space<hbm>>) target_semaphore(%run_scoped3A_98 : memref<!tpu.dma_semaphore, #tpu.memory_space<semaphore_mem>>)
      %dma_wait3A_104 = arith.constant 32 : i32
      %dma_wait3A_105 = tpu.memref_slice %arg8[%arg0, %add3A_97, %dma_wait3A_104] : memref<2x10240x128xf32, #tpu.memory_space<hbm>> -> memref<1x128x16xf32, #tpu.memory_space<hbm>>
      %dma_wait3A_106 = tpu.memref_squeeze %dma_wait3A_105 : memref<1x128x16xf32, #tpu.memory_space<hbm>> -> memref<128x16xf32, #tpu.memory_space<hbm>>
      %dma_wait3A_107 = arith.constant 0 : i32
      %dma_wait3A_108 = tpu.memref_slice %arg13[%add3A_97, %dma_wait3A_107] : memref<10240x16xf32, #tpu.memory_space<vmem_shared>> -> memref<128x16xf32, #tpu.memory_space<vmem_shared>>
      tpu.wait_dma2 semaphore(%run_scoped3A_98 : memref<!tpu.dma_semaphore, #tpu.memory_space<semaphore_mem>>) src(%dma_wait3A_108 : memref<128x16xf32, #tpu.memory_space<vmem_shared>>) dst(%dma_wait3A_106 : memref<128x16xf32, #tpu.memory_space<hbm>>)
      tpu.yield
    }) : () -> ()
    "tpu.region"() ({
      %run_scoped3A_98 = tpu.sem_alloc : memref<!tpu.dma_semaphore, #tpu.memory_space<semaphore_mem>>
      %dma_start3A_99 = arith.constant 48 : i32
      %dma_start3A_100 = tpu.memref_slice %arg8[%arg0, %add3A_97, %dma_start3A_99] : memref<2x10240x128xf32, #tpu.memory_space<hbm>> -> memref<1x128x16xf32, #tpu.memory_space<hbm>>
      %dma_start3A_101 = tpu.memref_squeeze %dma_start3A_100 : memref<1x128x16xf32, #tpu.memory_space<hbm>> -> memref<128x16xf32, #tpu.memory_space<hbm>>
      %dma_start3A_102 = arith.constant 0 : i32
      %dma_start3A_103 = tpu.memref_slice %arg13[%add3A_97, %dma_start3A_102] : memref<10240x16xf32, #tpu.memory_space<vmem_shared>> -> memref<128x16xf32, #tpu.memory_space<vmem_shared>>
      tpu.enqueue_dma source(%dma_start3A_103 : memref<128x16xf32, #tpu.memory_space<vmem_shared>>) target(%dma_start3A_101 : memref<128x16xf32, #tpu.memory_space<hbm>>) target_semaphore(%run_scoped3A_98 : memref<!tpu.dma_semaphore, #tpu.memory_space<semaphore_mem>>)
      %dma_wait3A_104 = arith.constant 48 : i32
      %dma_wait3A_105 = tpu.memref_slice %arg8[%arg0, %add3A_97, %dma_wait3A_104] : memref<2x10240x128xf32, #tpu.memory_space<hbm>> -> memref<1x128x16xf32, #tpu.memory_space<hbm>>
      %dma_wait3A_106 = tpu.memref_squeeze %dma_wait3A_105 : memref<1x128x16xf32, #tpu.memory_space<hbm>> -> memref<128x16xf32, #tpu.memory_space<hbm>>
      %dma_wait3A_107 = arith.constant 0 : i32
      %dma_wait3A_108 = tpu.memref_slice %arg13[%add3A_97, %dma_wait3A_107] : memref<10240x16xf32, #tpu.memory_space<vmem_shared>> -> memref<128x16xf32, #tpu.memory_space<vmem_shared>>
      tpu.wait_dma2 semaphore(%run_scoped3A_98 : memref<!tpu.dma_semaphore, #tpu.memory_space<semaphore_mem>>) src(%dma_wait3A_108 : memref<128x16xf32, #tpu.memory_space<vmem_shared>>) dst(%dma_wait3A_106 : memref<128x16xf32, #tpu.memory_space<hbm>>)
      tpu.yield
    }) : () -> ()
    "tpu.region"() ({
      %run_scoped3A_98 = tpu.sem_alloc : memref<!tpu.dma_semaphore, #tpu.memory_space<semaphore_mem>>
      %dma_start3A_99 = arith.constant 64 : i32
      %dma_start3A_100 = tpu.memref_slice %arg8[%arg0, %add3A_97, %dma_start3A_99] : memref<2x10240x128xf32, #tpu.memory_space<hbm>> -> memref<1x128x16xf32, #tpu.memory_space<hbm>>
      %dma_start3A_101 = tpu.memref_squeeze %dma_start3A_100 : memref<1x128x16xf32, #tpu.memory_space<hbm>> -> memref<128x16xf32, #tpu.memory_space<hbm>>
      %dma_start3A_102 = arith.constant 0 : i32
      %dma_start3A_103 = tpu.memref_slice %arg13[%add3A_97, %dma_start3A_102] : memref<10240x16xf32, #tpu.memory_space<vmem_shared>> -> memref<128x16xf32, #tpu.memory_space<vmem_shared>>
      tpu.enqueue_dma source(%dma_start3A_103 : memref<128x16xf32, #tpu.memory_space<vmem_shared>>) target(%dma_start3A_101 : memref<128x16xf32, #tpu.memory_space<hbm>>) target_semaphore(%run_scoped3A_98 : memref<!tpu.dma_semaphore, #tpu.memory_space<semaphore_mem>>)
      %dma_wait3A_104 = arith.constant 64 : i32
      %dma_wait3A_105 = tpu.memref_slice %arg8[%arg0, %add3A_97, %dma_wait3A_104] : memref<2x10240x128xf32, #tpu.memory_space<hbm>> -> memref<1x128x16xf32, #tpu.memory_space<hbm>>
      %dma_wait3A_106 = tpu.memref_squeeze %dma_wait3A_105 : memref<1x128x16xf32, #tpu.memory_space<hbm>> -> memref<128x16xf32, #tpu.memory_space<hbm>>
      %dma_wait3A_107 = arith.constant 0 : i32
      %dma_wait3A_108 = tpu.memref_slice %arg13[%add3A_97, %dma_wait3A_107] : memref<10240x16xf32, #tpu.memory_space<vmem_shared>> -> memref<128x16xf32, #tpu.memory_space<vmem_shared>>
      tpu.wait_dma2 semaphore(%run_scoped3A_98 : memref<!tpu.dma_semaphore, #tpu.memory_space<semaphore_mem>>) src(%dma_wait3A_108 : memref<128x16xf32, #tpu.memory_space<vmem_shared>>) dst(%dma_wait3A_106 : memref<128x16xf32, #tpu.memory_space<hbm>>)
      tpu.yield
    }) : () -> ()
    "tpu.region"() ({
      %run_scoped3A_98 = tpu.sem_alloc : memref<!tpu.dma_semaphore, #tpu.memory_space<semaphore_mem>>
      %dma_start3A_99 = arith.constant 80 : i32
      %dma_start3A_100 = tpu.memref_slice %arg8[%arg0, %add3A_97, %dma_start3A_99] : memref<2x10240x128xf32, #tpu.memory_space<hbm>> -> memref<1x128x16xf32, #tpu.memory_space<hbm>>
      %dma_start3A_101 = tpu.memref_squeeze %dma_start3A_100 : memref<1x128x16xf32, #tpu.memory_space<hbm>> -> memref<128x16xf32, #tpu.memory_space<hbm>>
      %dma_start3A_102 = arith.constant 0 : i32
      %dma_start3A_103 = tpu.memref_slice %arg13[%add3A_97, %dma_start3A_102] : memref<10240x16xf32, #tpu.memory_space<vmem_shared>> -> memref<128x16xf32, #tpu.memory_space<vmem_shared>>
      tpu.enqueue_dma source(%dma_start3A_103 : memref<128x16xf32, #tpu.memory_space<vmem_shared>>) target(%dma_start3A_101 : memref<128x16xf32, #tpu.memory_space<hbm>>) target_semaphore(%run_scoped3A_98 : memref<!tpu.dma_semaphore, #tpu.memory_space<semaphore_mem>>)
      %dma_wait3A_104 = arith.constant 80 : i32
      %dma_wait3A_105 = tpu.memref_slice %arg8[%arg0, %add3A_97, %dma_wait3A_104] : memref<2x10240x128xf32, #tpu.memory_space<hbm>> -> memref<1x128x16xf32, #tpu.memory_space<hbm>>
      %dma_wait3A_106 = tpu.memref_squeeze %dma_wait3A_105 : memref<1x128x16xf32, #tpu.memory_space<hbm>> -> memref<128x16xf32, #tpu.memory_space<hbm>>
      %dma_wait3A_107 = arith.constant 0 : i32
      %dma_wait3A_108 = tpu.memref_slice %arg13[%add3A_97, %dma_wait3A_107] : memref<10240x16xf32, #tpu.memory_space<vmem_shared>> -> memref<128x16xf32, #tpu.memory_space<vmem_shared>>
      tpu.wait_dma2 semaphore(%run_scoped3A_98 : memref<!tpu.dma_semaphore, #tpu.memory_space<semaphore_mem>>) src(%dma_wait3A_108 : memref<128x16xf32, #tpu.memory_space<vmem_shared>>) dst(%dma_wait3A_106 : memref<128x16xf32, #tpu.memory_space<hbm>>)
      tpu.yield
    }) : () -> ()
    "tpu.region"() ({
      %run_scoped3A_98 = tpu.sem_alloc : memref<!tpu.dma_semaphore, #tpu.memory_space<semaphore_mem>>
      %dma_start3A_99 = arith.constant 96 : i32
      %dma_start3A_100 = tpu.memref_slice %arg8[%arg0, %add3A_97, %dma_start3A_99] : memref<2x10240x128xf32, #tpu.memory_space<hbm>> -> memref<1x128x16xf32, #tpu.memory_space<hbm>>
      %dma_start3A_101 = tpu.memref_squeeze %dma_start3A_100 : memref<1x128x16xf32, #tpu.memory_space<hbm>> -> memref<128x16xf32, #tpu.memory_space<hbm>>
      %dma_start3A_102 = arith.constant 0 : i32
      %dma_start3A_103 = tpu.memref_slice %arg13[%add3A_97, %dma_start3A_102] : memref<10240x16xf32, #tpu.memory_space<vmem_shared>> -> memref<128x16xf32, #tpu.memory_space<vmem_shared>>
      tpu.enqueue_dma source(%dma_start3A_103 : memref<128x16xf32, #tpu.memory_space<vmem_shared>>) target(%dma_start3A_101 : memref<128x16xf32, #tpu.memory_space<hbm>>) target_semaphore(%run_scoped3A_98 : memref<!tpu.dma_semaphore, #tpu.memory_space<semaphore_mem>>)
      %dma_wait3A_104 = arith.constant 96 : i32
      %dma_wait3A_105 = tpu.memref_slice %arg8[%arg0, %add3A_97, %dma_wait3A_104] : memref<2x10240x128xf32, #tpu.memory_space<hbm>> -> memref<1x128x16xf32, #tpu.memory_space<hbm>>
      %dma_wait3A_106 = tpu.memref_squeeze %dma_wait3A_105 : memref<1x128x16xf32, #tpu.memory_space<hbm>> -> memref<128x16xf32, #tpu.memory_space<hbm>>
      %dma_wait3A_107 = arith.constant 0 : i32
      %dma_wait3A_108 = tpu.memref_slice %arg13[%add3A_97, %dma_wait3A_107] : memref<10240x16xf32, #tpu.memory_space<vmem_shared>> -> memref<128x16xf32, #tpu.memory_space<vmem_shared>>
      tpu.wait_dma2 semaphore(%run_scoped3A_98 : memref<!tpu.dma_semaphore, #tpu.memory_space<semaphore_mem>>) src(%dma_wait3A_108 : memref<128x16xf32, #tpu.memory_space<vmem_shared>>) dst(%dma_wait3A_106 : memref<128x16xf32, #tpu.memory_space<hbm>>)
      tpu.yield
    }) : () -> ()
    "tpu.region"() ({
      %run_scoped3A_98 = tpu.sem_alloc : memref<!tpu.dma_semaphore, #tpu.memory_space<semaphore_mem>>
      %dma_start3A_99 = arith.constant 112 : i32
      %dma_start3A_100 = tpu.memref_slice %arg8[%arg0, %add3A_97, %dma_start3A_99] : memref<2x10240x128xf32, #tpu.memory_space<hbm>> -> memref<1x128x16xf32, #tpu.memory_space<hbm>>
      %dma_start3A_101 = tpu.memref_squeeze %dma_start3A_100 : memref<1x128x16xf32, #tpu.memory_space<hbm>> -> memref<128x16xf32, #tpu.memory_space<hbm>>
      %dma_start3A_102 = arith.constant 0 : i32
      %dma_start3A_103 = tpu.memref_slice %arg13[%add3A_97, %dma_start3A_102] : memref<10240x16xf32, #tpu.memory_space<vmem_shared>> -> memref<128x16xf32, #tpu.memory_space<vmem_shared>>
      tpu.enqueue_dma source(%dma_start3A_103 : memref<128x16xf32, #tpu.memory_space<vmem_shared>>) target(%dma_start3A_101 : memref<128x16xf32, #tpu.memory_space<hbm>>) target_semaphore(%run_scoped3A_98 : memref<!tpu.dma_semaphore, #tpu.memory_space<semaphore_mem>>)
      %dma_wait3A_104 = arith.constant 112 : i32
      %dma_wait3A_105 = tpu.memref_slice %arg8[%arg0, %add3A_97, %dma_wait3A_104] : memref<2x10240x128xf32, #tpu.memory_space<hbm>> -> memref<1x128x16xf32, #tpu.memory_space<hbm>>
      %dma_wait3A_106 = tpu.memref_squeeze %dma_wait3A_105 : memref<1x128x16xf32, #tpu.memory_space<hbm>> -> memref<128x16xf32, #tpu.memory_space<hbm>>
      %dma_wait3A_107 = arith.constant 0 : i32
      %dma_wait3A_108 = tpu.memref_slice %arg13[%add3A_97, %dma_wait3A_107] : memref<10240x16xf32, #tpu.memory_space<vmem_shared>> -> memref<128x16xf32, #tpu.memory_space<vmem_shared>>
      tpu.wait_dma2 semaphore(%run_scoped3A_98 : memref<!tpu.dma_semaphore, #tpu.memory_space<semaphore_mem>>) src(%dma_wait3A_108 : memref<128x16xf32, #tpu.memory_space<vmem_shared>>) dst(%dma_wait3A_106 : memref<128x16xf32, #tpu.memory_space<hbm>>)
      tpu.yield
    }) : () -> ()
    return
  }
}

module attributes {stable_mosaic.version = 14 : i64} {
  func.func @_tc_body(%arg0: i32, %arg1: memref<1x1xf32, #tpu.memory_space<smem>>, %arg2: memref<2x1024x128xf32, #tpu.memory_space<vmem>>, %arg3: memref<2x1024x128xf32, #tpu.memory_space<vmem>>, %arg4: memref<1024x128xf32, #tpu.memory_space<vmem>>, %arg5: memref<128x128xf32, #tpu.memory_space<vmem>>, %arg6: memref<1x128xf32, #tpu.memory_space<vmem>>, %arg7: memref<128x128xf32, #tpu.memory_space<vmem>>, %arg8: memref<1x128xf32, #tpu.memory_space<vmem>>, %arg9: memref<1024x128xf32, #tpu.memory_space<vmem>>) attributes {dimension_semantics = [#tpu.dimension_semantics<arbitrary>], iteration_bounds = array<i64: 10>, scalar_prefetch = 0 : i64, scratch_operands = 0 : i64, tpu.core_type = #tpu.core_type<tc>, window_params = [{transform_indices = @transform_0, window_bounds = array<i64: 1, 1>}, {transform_indices = @transform_1, window_bounds = array<i64: 2, 1024, 128>}, {transform_indices = @transform_2, window_bounds = array<i64: 2, 1024, 128>}, {transform_indices = @transform_3, window_bounds = array<i64: 1024, 128>}, {pipeline_mode = #tpu.pipeline_mode<synchronous>, transform_indices = @transform_4, window_bounds = array<i64: 128, 128>}, {pipeline_mode = #tpu.pipeline_mode<synchronous>, transform_indices = @transform_5, window_bounds = array<i64: 1, 128>}, {pipeline_mode = #tpu.pipeline_mode<synchronous>, transform_indices = @transform_6, window_bounds = array<i64: 128, 128>}, {pipeline_mode = #tpu.pipeline_mode<synchronous>, transform_indices = @transform_7, window_bounds = array<i64: 1, 128>}, {transform_indices = @transform_8, window_bounds = array<i64: 1024, 128>}]} {
    %get3A = arith.constant 0 : index
    %get3A_0 = arith.constant 0 : index
    %get3A_1 = arith.constant 0 : index
    %get3A_2 = vector.load %arg2[%get3A, %get3A_0, %get3A_1] : memref<2x1024x128xf32, #tpu.memory_space<vmem>>, vector<1x1024x128xf32>
    %get3A_3 = vector.shape_cast %get3A_2 : vector<1x1024x128xf32> to vector<1024x128xf32>
    %get3A_4 = arith.constant 1 : index
    %get3A_5 = arith.constant 0 : index
    %get3A_6 = arith.constant 0 : index
    %get3A_7 = vector.load %arg2[%get3A_4, %get3A_5, %get3A_6] : memref<2x1024x128xf32, #tpu.memory_space<vmem>>, vector<1x1024x128xf32>
    %get3A_8 = vector.shape_cast %get3A_7 : vector<1x1024x128xf32> to vector<1024x128xf32>
    %add3A = arith.addf %get3A_3, %get3A_8 : vector<1024x128xf32>
    %get3A_9 = arith.constant 0 : index
    %get3A_10 = arith.constant 0 : index
    %get3A_11 = arith.constant 0 : index
    %get3A_12 = vector.load %arg3[%get3A_9, %get3A_10, %get3A_11] : memref<2x1024x128xf32, #tpu.memory_space<vmem>>, vector<1x1024x128xf32>
    %get3A_13 = vector.shape_cast %get3A_12 : vector<1x1024x128xf32> to vector<1024x128xf32>
    %get3A_14 = arith.constant 1 : index
    %get3A_15 = arith.constant 0 : index
    %get3A_16 = arith.constant 0 : index
    %get3A_17 = vector.load %arg3[%get3A_14, %get3A_15, %get3A_16] : memref<2x1024x128xf32, #tpu.memory_space<vmem>>, vector<1x1024x128xf32>
    %get3A_18 = vector.shape_cast %get3A_17 : vector<1x1024x128xf32> to vector<1024x128xf32>
    %add3A_19 = arith.addf %get3A_13, %get3A_18 : vector<1024x128xf32>
    %max3A = arith.constant 1.000000e+00 : f32
    %max3A_20 = vector.broadcast %max3A : f32 to vector<1024x128xf32>
    %max3A_21 = arith.maximumf %add3A_19, %max3A_20 : vector<1024x128xf32>
    %div3A = arith.divf %add3A, %max3A_21 : vector<1024x128xf32>
    %get3A_22 = arith.constant 0 : index
    %get3A_23 = arith.constant 0 : index
    %get3A_24 = vector.load %arg4[%get3A_22, %get3A_23] : memref<1024x128xf32, #tpu.memory_space<vmem>>, vector<1024x128xf32>
    %get3A_25 = arith.constant 0 : index
    %get3A_26 = arith.constant 0 : index
    %get3A_27 = memref.load %arg1[%get3A_25, %get3A_26] : memref<1x1xf32, #tpu.memory_space<smem>>
    %add3A_28 = arith.constant 1.000000e+00 : f32
    %add3A_29 = arith.addf %add3A_28, %get3A_27 : f32
    %mul3A = vector.broadcast %add3A_29 : f32 to vector<1024x128xf32>
    %mul3A_30 = arith.mulf %mul3A, %get3A_24 : vector<1024x128xf32>
    %add3A_31 = arith.addf %mul3A_30, %div3A : vector<1024x128xf32>
    %get3A_32 = arith.constant 0 : index
    %get3A_33 = arith.constant 0 : index
    %get3A_34 = vector.load %arg5[%get3A_32, %get3A_33] : memref<128x128xf32, #tpu.memory_space<vmem>>, vector<128x128xf32>
    %dot_general3A = arith.constant dense<0.000000e+00> : vector<1024x128xf32>
    %dot_general3A_35 = tpu.matmul %add3A_31, %get3A_34, %dot_general3A {dimension_numbers = #tpu.dot_dimension_numbers<[1], [0], [0], [1], [0, 0, 1, 1], [], []>, transpose_lhs_hint = false} : vector<1024x128xf32>, vector<128x128xf32>, vector<1024x128xf32> -> vector<1024x128xf32>
    %get3A_36 = arith.constant 0 : index
    %get3A_37 = arith.constant 0 : index
    %get3A_38 = vector.load %arg6[%get3A_36, %get3A_37] : memref<1x128xf32, #tpu.memory_space<vmem>>, vector<1x128xf32>
    %add3A_39 = vector.broadcast %get3A_38 : vector<1x128xf32> to vector<1024x128xf32>
    %add3A_40 = arith.addf %dot_general3A_35, %add3A_39 : vector<1024x128xf32>
    %max3A_41 = arith.constant 0.000000e+00 : f32
    %max3A_42 = vector.broadcast %max3A_41 : f32 to vector<1024x128xf32>
    %max3A_43 = arith.maximumf %add3A_40, %max3A_42 : vector<1024x128xf32>
    %get3A_44 = arith.constant 0 : index
    %get3A_45 = arith.constant 0 : index
    %get3A_46 = vector.load %arg7[%get3A_44, %get3A_45] : memref<128x128xf32, #tpu.memory_space<vmem>>, vector<128x128xf32>
    %dot_general3A_47 = arith.constant dense<0.000000e+00> : vector<1024x128xf32>
    %dot_general3A_48 = tpu.matmul %max3A_43, %get3A_46, %dot_general3A_47 {dimension_numbers = #tpu.dot_dimension_numbers<[1], [0], [0], [1], [0, 0, 1, 1], [], []>, transpose_lhs_hint = false} : vector<1024x128xf32>, vector<128x128xf32>, vector<1024x128xf32> -> vector<1024x128xf32>
    %get3A_49 = arith.constant 0 : index
    %get3A_50 = arith.constant 0 : index
    %get3A_51 = vector.load %arg8[%get3A_49, %get3A_50] : memref<1x128xf32, #tpu.memory_space<vmem>>, vector<1x128xf32>
    %add3A_52 = vector.broadcast %get3A_51 : vector<1x128xf32> to vector<1024x128xf32>
    %add3A_53 = arith.addf %dot_general3A_48, %add3A_52 : vector<1024x128xf32>
    %max3A_54 = arith.constant 0.000000e+00 : f32
    %max3A_55 = vector.broadcast %max3A_54 : f32 to vector<1024x128xf32>
    %max3A_56 = arith.maximumf %add3A_53, %max3A_55 : vector<1024x128xf32>
    %add3A_57 = arith.addf %max3A_56, %get3A_24 : vector<1024x128xf32>
    %swap3A = arith.constant 0 : index
    %swap3A_58 = arith.constant 0 : index
    %swap3A_59 = vector.load %arg9[%swap3A, %swap3A_58] : memref<1024x128xf32, #tpu.memory_space<vmem>>, vector<1024x128xf32>
    tpu.vector_store %arg9[%swap3A, %swap3A_58], %add3A_57 {strides = array<i32>} : memref<1024x128xf32, #tpu.memory_space<vmem>>, vector<1024x128xf32>,
    return
  }
  func.func @transform_0(%arg0: i32) -> (i32, i32) {
    %c0_i32 = arith.constant 0 : i32
    %c0_i32_0 = arith.constant 0 : i32
    %c0_i32_1 = arith.constant 0 : i32
    return %c0_i32, %c0_i32_0 : i32, i32
  }
  func.func @transform_1(%arg0: i32) -> (i32, i32, i32) {
    %c0_i32 = arith.constant 0 : i32
    %c0_i32_0 = arith.constant 0 : i32
    %c0_i32_1 = arith.constant 0 : i32
    return %c0_i32, %arg0, %c0_i32_0 : i32, i32, i32
  }
  func.func @transform_2(%arg0: i32) -> (i32, i32, i32) {
    %c0_i32 = arith.constant 0 : i32
    %c0_i32_0 = arith.constant 0 : i32
    %c0_i32_1 = arith.constant 0 : i32
    return %c0_i32, %arg0, %c0_i32_0 : i32, i32, i32
  }
  func.func @transform_3(%arg0: i32) -> (i32, i32) {
    %c0_i32 = arith.constant 0 : i32
    %c0_i32_0 = arith.constant 0 : i32
    return %arg0, %c0_i32 : i32, i32
  }
  func.func @transform_4(%arg0: i32) -> (i32, i32) {
    %c0_i32 = arith.constant 0 : i32
    %c0_i32_0 = arith.constant 0 : i32
    %c0_i32_1 = arith.constant 0 : i32
    return %c0_i32, %c0_i32_0 : i32, i32
  }
  func.func @transform_5(%arg0: i32) -> (i32, i32) {
    %c0_i32 = arith.constant 0 : i32
    %c0_i32_0 = arith.constant 0 : i32
    %c0_i32_1 = arith.constant 0 : i32
    return %c0_i32, %c0_i32_0 : i32, i32
  }
  func.func @transform_6(%arg0: i32) -> (i32, i32) {
    %c0_i32 = arith.constant 0 : i32
    %c0_i32_0 = arith.constant 0 : i32
    %c0_i32_1 = arith.constant 0 : i32
    return %c0_i32, %c0_i32_0 : i32, i32
  }
  func.func @transform_7(%arg0: i32) -> (i32, i32) {
    %c0_i32 = arith.constant 0 : i32
    %c0_i32_0 = arith.constant 0 : i32
    %c0_i32_1 = arith.constant 0 : i32
    return %c0_i32, %c0_i32_0 : i32, i32
  }
  func.func @transform_8(%arg0: i32) -> (i32, i32) {
    %c0_i32 = arith.constant 0 : i32
    %c0_i32_0 = arith.constant 0 : i32
    return %arg0, %c0_i32 : i32, i32
  }
}

</mosaic_0001>

<sc_bundles>
// kernel: kernel.4.cloned.1.call-start
scs
__scs_entry_jumppad:
0x0: {  	(pc) =	sbr.rel $0x88, $3  }
0x1: {  	(tag) =	ssettag $0x0;
	lr =	simm.s32 $0x1  }
0x2: {  	[smem:$0x3F9A] =	sst lr;
	_ =	strace $0xD0000000  }
0x3: {  	_ = 	snop  }
0x4: {  	_ = 	snop  }
0x5: {  	_ = 	snop  }
0x6: {  	_ = 	snop  }
0x7: {  	_ = 	snop  }
__scs_overlays_trampoline_lowered:
0x8: {  	[smem:$0x3FA9] =	sst s0  }
0x9: {  	[smem:$0x3FAA] =	sst s1  }
0xa: {  	[smem:$0x3FAB] =	sst s2  }
0xb: {  	[smem:$0x3FAC] =	sst s3  }
0xc: {  	[smem:$0x3FAD] =	sst s4  }
0xd: {  	[smem:$0x3FAE] =	sst s5  }
0xe: {  	[smem:$0x3FAF] =	sst s6  }
0xf: {  	[smem:$0x3FB0] =	sst s7  }
0x10: {  	[smem:$0x3FB1] =	sst s8  }
0x11: {  	[smem:$0x3FB2] =	sst s9;
	s0 =	simm.s32 @!p0 $0x0  }
0x12: {  	s1 =	sld [smem:$0x3F98];
	s0 =	simm.s32 @p0 $0x1  }
0x13: {  	[smem:$0x3FB3] =	sst s0;
	s0 =	simm.s32 @!p1 $0x0  }
0x14: {  	s2 =	sld [smem:$0x3F97];
	s0 =	simm.s32 @p1 $0x1  }
0x15: {  	[smem:$0x3FB4] =	sst s0;
	s0 =	simm.s32 @!p2 $0x0  }
0x16: {  	s3 =	sld [smem:$0x3FDB];
	s0 =	simm.s32 @p2 $0x1  }
0x17: {  	s4 =	simm.s32 $0x1BF5;
	[smem:$0x3FB6] =	sst s0  }
0x18: {  	s0 =	sld [smem:$0x3F99];
	_ =	swait.ge [sflag:s4], $0x0  }
0x19: {  	s7 =	sld [smem:$0x3F9A]  }
0x1a: {  	s8 =	sadd.s32 $0xFFFFE003, lr  }
0x1b: {  	s9 =	sadd.s32 $0xFFFFFEF7, lr;
	s5 =	simm.s32 $0xFFFFFFFF;
	p2 =	slt.u32 s8, $0xFFFFF086  }
0x1c: {  	p1 =	slt.u32 s9, $0xF7A;
	s5 =	simm.s32 @!p2 $0x0  }
0x1d: {  	s5 =	simm.s32 @p1 $0x1;
	p0 =	seq.s32 s7, s2  }
0x1e: {  	s7 =	smul.u32 @!p0 $0xF7A, s2;
	p2 =	seq.s32 @!p0 s5, $0x0  }
0x1f: {  	s9 =	smul.u32 $0xF7A, s1;
	s8 =	simm.s32 @!p0 $0x1BF5;
	p2 =	por !p2, p0  }
0x20: {  	[sflag:s8] =	ssyncset.s32 @!p0 $0xFFFFF086;
	s6 =	sadd.s32 @!p0 s3, s7;
	s7 =	simm.s32 @!p0 $0x108  }
0x21: {  	s3 =	sadd.s32 s3, s9;
	s6 =	sadd.s32 @!p0 $0x88, s6;
	s7 =	simm.s32 @p2 $0x1082  }
0x22: {  	[simem:s7], [sflag:s8] =	dma.local @!p0 [hbm:s6], $0xF7A  }
0x23: {  	s9 =	sor.u32 $0xD0000000, s2;
	s6 =	simm.s32 $0x108;
	_ =	swait.ge @!p0 [sflag:s8], $0x0  }
0x24: {  	s3 =	sadd.s32 $0x88, s3;
	s6 =	simm.s32 @!p1 $0x1082;
	[sflag:s4] =	ssyncset.s32 $0xFFFFF086  }
0x25: {  	[simem:s6], [sflag:s4] =	dma.local [hbm:s3], $0xF7A  }
0x26: {  	[smem:$0x3F9A] =	sst s1;
	(tag) =	ssettag s2;
	_ =	strace s9  }
0x27: {  	s1 =	sld [smem:$0x3FAA]  }
0x28: {  	s2 =	sld [smem:$0x3FAB]  }
0x29: {  	s4 =	sld [smem:$0x3FAD]  }
0x2a: {  	p0 =	seq.s32 s5, $0x0;
	s5 =	sld [smem:$0x3FAE]  }
0x2b: {  	s6 =	sld [smem:$0x3FAF]  }
0x2c: {  	s7 =	sld [smem:$0x3FB0]  }
0x2d: {  	s3 =	simm.s32 $0x108;
	s8 =	sld [smem:$0x3FB1]  }
0x2e: {  	s3 =	simm.s32 @!p0 $0x1082;
	s9 =	sld [smem:$0x3FB2]  }
0x2f: {  	lr =	sadd.s32 s0, s3;
	s0 =	sld [smem:$0x3FA9]  }
0x30: {  	s3 =	sld [smem:$0x3FAC]  }
0x31: {  	[smem:$0x3FB5] =	sst s10  }
0x32: {  	s10 =	sld [smem:$0x3FB3];
	_ =	sdelay $0x3  }
0x33: {  	p0 =	seq.s32 s10, $0x1;
	s10 =	sld [smem:$0x3FB5];
	_ =	sdelay $0x3  }
0x34: {  	[smem:$0x3FB5] =	sst s10  }
0x35: {  	s10 =	sld [smem:$0x3FB4];
	_ =	sdelay $0x3  }
0x36: {  	p1 =	seq.s32 s10, $0x1;
	s10 =	sld [smem:$0x3FB5];
	_ =	sdelay $0x3  }
0x37: {  	[smem:$0x3FB5] =	sst s10  }
0x38: {  	s10 =	sld [smem:$0x3FB6]  }
0x39: {  	_ = 	snop;
	(pc) =	sbr.ind lr, $3  }
0x3a: {  	_ = 	snop  }
0x3b: {  	_ = 	snop  }
0x3c: {  	p2 =	seq.s32 s10, $0x1;
	s10 =	sld [smem:$0x3FB5]  }
0x3d: {  	_ =	shalt  }
0x3e: {  	_ =	shalt  }
0x3f: {  	_ =	shalt  }
0x40: {  	_ =	shalt  }
0x41: {  	_ =	shalt  }
0x42: {  	_ =	shalt  }
0x43: {  	_ =	shalt  }
0x44: {  	_ =	shalt  }
0x45: {  	_ =	shalt  }
0x46: {  	_ =	shalt  }
0x47: {  	_ =	shalt  }
0x48: {  	_ =	shalt  }
0x49: {  	_ =	shalt  }
0x4a: {  	_ =	shalt  }
0x4b: {  	_ =	shalt  }
0x4c: {  	_ =	shalt  }
0x4d: {  	_ =	shalt  }
0x4e: {  	_ =	shalt  }
0x4f: {  	_ =	shalt  }
0x50: {  	_ =	shalt  }
0x51: {  	_ =	shalt  }
0x52: {  	_ =	shalt  }
0x53: {  	_ =	shalt  }
0x54: {  	_ =	shalt  }
0x55: {  	_ =	shalt  }
0x56: {  	_ =	shalt  }
0x57: {  	_ =	shalt  }
0x58: {  	_ =	shalt  }
0x59: {  	_ =	shalt  }
0x5a: {  	_ =	shalt  }
0x5b: {  	_ =	shalt  }
0x5c: {  	_ =	shalt  }
0x5d: {  	_ =	shalt  }
0x5e: {  	_ =	shalt  }
0x5f: {  	_ =	shalt  }
0x60: {  	_ =	shalt  }
0x61: {  	_ =	shalt  }
0x62: {  	_ =	shalt  }
0x63: {  	_ =	shalt  }
0x64: {  	_ =	shalt  }
0x65: {  	_ =	shalt  }
0x66: {  	_ =	shalt  }
0x67: {  	_ =	shalt  }
0x68: {  	_ =	shalt  }
0x69: {  	_ =	shalt  }
0x6a: {  	_ =	shalt  }
0x6b: {  	_ =	shalt  }
0x6c: {  	_ =	shalt  }
0x6d: {  	_ =	shalt  }
0x6e: {  	_ =	shalt  }
0x6f: {  	_ =	shalt  }
0x70: {  	_ =	shalt  }
0x71: {  	_ =	shalt  }
0x72: {  	_ =	shalt  }
0x73: {  	_ =	shalt  }
0x74: {  	_ =	shalt  }
0x75: {  	_ =	shalt  }
0x76: {  	_ =	shalt  }
0x77: {  	_ =	shalt  }
0x78: {  	_ =	shalt  }
0x79: {  	_ =	shalt  }
0x7a: {  	_ =	shalt  }
0x7b: {  	_ =	shalt  }
0x7c: {  	_ =	shalt  }
0x7d: {  	_ =	shalt  }
0x7e: {  	_ =	shalt  }
0x7f: {  	_ =	shalt  }
0x80: {  	_ =	shalt  }
0x81: {  	_ =	shalt  }
0x82: {  	_ =	shalt  }
0x83: {  	_ =	shalt  }
0x84: {  	_ =	shalt  }
0x85: {  	_ =	shalt  }
0x86: {  	_ =	shalt  }
0x87: {  	_ =	shalt  }
.Lfunc_end0:
.L_simem_size_0:
called_computation_lowered:
.L_overlay_start_0:
0x88: {  	s2 =	sld [smem:$0x3FD9]  }
0x89: {  	s3 =	sld [smem:$0x3FFE];
	_ =	sdelay $0x1  }
0x8a: {  	s1 =	srdreg.scid  }
0x8b: {  	s0 =	sand.u32 $0x1, s1  }
0x8c: {  	s17 =	sshll.u32 s0, $0xA;
	s2 =	sadd.s32 s3, s2  }
0x8d: {  	s2 =	sadd.s32 s2, s17  }
0x8e: {  	[smem:$0x3FC1] =	sst s2  }
0x8f: {  	_ = 	snop  }
0x90: {  	s2 =	sld [smem:$0x3FD0];
	(tm) =	ssettm $0x1  }
0x91: {  	s18 =	sld [smem:$0x3FFB];
	_ =	sdelay $0x3  }
0x92: {  	_ =	strace s18  }
0x93: {  	s3 =	sld [smem:$0x3FFC];
	_ =	sdelay $0x3  }
0x94: {  	_ =	strace s3  }
0x95: {  	s3 =	sld [smem:$0x3FFD];
	_ =	sdelay $0x3  }
0x96: {  	_ =	strace s3  }
0x97: {  	_ =	strace $0x8FFFFFFF  }
0x98: {  	s19 =	sld [smem:$0x3FDB];
	_ =	sdelay $0x1  }
0x99: {  	s4 =	simm.s32 $_scs_section_size  }
0x9a: {  	s5 =	simm.s32 $_size__tile_overlayer_lowered;
	s6 =	simm.s32 $_tile_overlayer_lowered  }
0x9b: {  	s22 =	simm.s32 $0x1BFF;
	s21 =	sshll.u32 s6, $0x1;
	s3 =	sadd.s32 s4, s19  }
0x9c: {  	s7 =	simm.s32 $0x0;
	s20 =	sshll.u32 s5, $0x1;
	s5 =	sadd.s32 s21, s3  }
0x9d: {  	[timem:s7], [sflag:s22] =	dma.local [hbm:s5], s20  }
0x9e: {  	_ =	swait.ge [sflag:s22], s20  }
0x9f: {  	s4 =	ssub.s32 $0x0, s20;
	[sflag:s22] =	ssyncset.done $0x0  }
0xa0: {  	[sflag:s22] =	ssyncadd.s32 s4;
	_ =	sdelay $0x1  }
0xa1: {  	s23 =	simm.s32 $0x1B8B  }
0xa2: {  	_ =	swait.ge [sflag:s23], $0x1  }
0xa3: {  	[sflag:s23] =	ssyncset.done $0x0  }
0xa4: {  	s25 =	simm.s32 $0x1B8E;
	s24 =	sld [smem:$0x3FFE];
	[sflag:s23] =	ssyncadd.s32 $0xFFFFFFFF  }
0xa5: {  	s26 =	simm.s32 $execute0_lowered;
	[smem:$0x3FD2] =	sst s25  }
0xa6: {  	s5 =	sshll.u32 s26, $0x1;
	_ =	strace $0x80000046;
	[dreg:$0x1] =	wrdreg $0xFFFFFFFF  }
0xa7: {  	s28 =	simm.s32 $_size_execute0_lowered;
	s3 =	sadd.s32 s3, s5;
	[dreg:$0x0] =	wrdreg $0x0  }
0xa8: {  	s5 =	sshll.u32 s28, $0x1;
	[dreg:$0x2] =	wrdreg s3  }
0xa9: {  	[dreg:$0x3] =	wrdreg s5  }
0xaa: {  	[dreg:$0x4] =	wrdreg $0xC0  }
0xab: {  	_ =	task [dreg:s7], $0x5FFFF  }
0xac: {  	[dreg:$0x1] =	wrdreg $0xFFFFFFFF  }
0xad: {  	[dreg:$0x0] =	wrdreg $0x60  }
0xae: {  	[dreg:$0x2] =	wrdreg s24  }
0xaf: {  	[dreg:$0x3] =	wrdreg s2  }
0xb0: {  	[dreg:$0x4] =	wrdreg $0x8A000  }
0xb1: {  	[dreg:$0x5] =	wrdreg $0x1CA000  }
0xb2: {  	[dreg:$0x6] =	wrdreg $0x9  }
0xb3: {  	_ =	task.clear_ibuf [dreg:s7], $0x7FFFF;
	_ =	strace $0x90000046  }
0xb4: {  	s29 =	simm.s32 $0x9;
	_ =	strace $0x80000048  }
0xb5: {  	_ =	swait.ge [sflag:s29], $0x1  }
0xb6: {  	[sflag:s29] =	ssyncadd.s32 $0xFFFFFFFF  }
0xb7: {  	_ =	strace $0x90000048  }
0xb8: {  	_ =	sfence  }
0xb9: {  	s30 =	sld [smem:$0x0];
	_ =	sdelay $0x2  }
0xba: {  	s31 =	sshll.u32 s1, $0xD;
	s1 =	sshrl.u32 s1, $0x2  }
0xbb: {  	s3 =	sand.u32 $0x4000, s31;
	s1 =	sadd.s32 s1, s30  }
0xbc: {  	s0 =	sor.u32 s3, s0;
	s1 =	sshll.u32 s1, $0x11  }
0xbd: {  	s0 =	sor.u32 s1, s0  }
0xbe: {  	s0 =	sadd.s32 $0x8F2B, s0  }
0xbf: {  	[sflag:s0] =	ssyncadd.remote.s32 $0x1  }
0xc0: {  	_ =	sfence.sel $0xFFFF  }
0xc1: {  	[dreg:$0x0] =	wrdreg $0xFFFFFFFF;
	(pc) =	sbr.abs _section_cstart, $3  }
0xc2: {  	[dreg:$0x1] =	wrdreg $0xFFFFFFFF  }
0xc3: {  	_ =	task.clear_ibuf [dreg:s7], $0x2FFFF;
	_ =	strace $0x9FFFFFFF  }
0xc4: {  	(tm) =	ssettm $0x7FFFFFFF  }
0xc5: {  	_ =	shalt  }
tec
execute0_lowered:
.L_overlay_start_1:
0x0: {  	(tag) =	ssettag $0x1  }
0x1: {  	s2 =	rddreg [dreg:$0x0];
	s26 =	stileid.u32  }
0x2: {  	s0 =	srdreg.scid;
	s7 =	smul.u32 $0x280, s26  }
0x3: {  	s1 =	simm.s32 $0x0;
	s12 =	sand.u32 $0x1, s0;
	s3 =	smul.u32 $0x14000, s26  }
0x4: {  	[smem:$0x7FF] =	sst s1;
	s13 =	smul.u32 $0x140000, s12  }
0x5: {  	s10 =	sadd.s32 $0x2A400, s2;
	s11 =	sadd.s32 $0x7A400, s2;
	s16 =	sadd.s32 $0x7A404, s2  }
0x6: {  	s17 =	sadd.s32 $0x7A406, s2;
	s18 =	smul.u32 $0x50, s26;
	s6 =	sadd.s32 s3, s13  }
0x7: {  	s0 =	ssub.s32 $0x2, s12;
	s5 =	sshll.u32 s12, $0x4;
	s14 =	sshrl.u32 s6, $0x3  }
0x8: {  	s12 =	smul.u32 $0x500, s12;
	s24 =	sor.u32 s26, s5;
	s15 =	sadd.s32 s10, s14  }
0x9: {  	s5 =	sadd.s32 $0x80, s7;
	[dreg:$0x5] =	wrdreg s15;
	s15 =	sadd.s32 $0x7A402, s2  }
0xa: {  	s8 =	sshll.u32 s5, $0x7;
	s12 =	sadd.s32 s18, s12;
	s19 =	sadd.s32 s14, s15  }
0xb: {  	s25 =	sadd.s32 s11, s14;
	[dreg:$0x7] =	wrdreg s19;
	s19 =	sadd.s32 $0x7A408, s2  }
0xc: {  	s18 =	sadd.s32 $0x7A40A, s2;
	[dreg:$0x6] =	wrdreg s25;
	s20 =	sadd.s32 s14, s19  }
0xd: {  	s28 =	sadd.s32 s14, s16;
	[dreg:$0xa] =	wrdreg s20;
	s20 =	sadd.s32 $0x7A40C, s2  }
0xe: {  	s22 =	sadd.s32 s13, s8;
	[dreg:$0x8] =	wrdreg s28;
	s21 =	sadd.s32 s14, s20  }
0xf: {  	s29 =	sadd.s32 s14, s17;
	[dreg:$0xc] =	wrdreg s21;
	s21 =	sadd.s32 $0x7A40E, s2  }
0x10: {  	s30 =	sadd.s32 s14, s18;
	[dreg:$0x9] =	wrdreg s29;
	s14 =	sadd.s32 s14, s21  }
0x11: {  	[dreg:$0xd] =	wrdreg s14;
	s14 =	sshrl.u32 s22, $0x3  }
0x12: {  	s9 =	smul.u32 $0xA00, s24;
	[dreg:$0xb] =	wrdreg s30;
	s24 =	sadd.s32 s10, s14  }
0x13: {  	s31 =	sadd.s32 s11, s14;
	[dreg:$0xe] =	wrdreg s24  }
0x14: {  	s4 =	sshrl.u32 s0, $0x1;
	s25 =	sadd.s32 s14, s15;
	[dreg:$0xf] =	wrdreg s31  }
0x15: {  	s0 =	ssub.s32 s0, s4;
	s28 =	sadd.s32 s14, s16;
	[dreg:$0x10] =	wrdreg s25  }
0x16: {  	s4 =	sadd.s32 $0x100, s7;
	s29 =	sadd.s32 s14, s17;
	[dreg:$0x11] =	wrdreg s28  }
0x17: {  	s22 =	sshll.u32 s4, $0x7;
	s30 =	sadd.s32 s14, s19;
	[dreg:$0x12] =	wrdreg s29  }
0x18: {  	[dreg:$0x13] =	wrdreg s30;
	s31 =	sadd.s32 s14, s18;
	s25 =	sadd.s32 s14, s20  }
0x19: {  	s14 =	sadd.s32 s14, s21;
	s28 =	sadd.s32 s13, s22;
	[dreg:$0x14] =	wrdreg s31  }
0x1a: {  	[dreg:$0x16] =	wrdreg s14;
	s14 =	sshrl.u32 s28, $0x3  }
0x1b: {  	s6 =	sadd.s32 $0x180, s7;
	[dreg:$0x15] =	wrdreg s25;
	s28 =	sadd.s32 s10, s14  }
0x1c: {  	s23 =	sshll.u32 s6, $0x7;
	s30 =	sadd.s32 s11, s14;
	[dreg:$0x17] =	wrdreg s28  }
0x1d: {  	s29 =	sadd.s32 s13, s23;
	s31 =	sadd.s32 s14, s15;
	[dreg:$0x18] =	wrdreg s30  }
0x1e: {  	s24 =	sshrl.u32 s29, $0x3;
	s29 =	sadd.s32 s14, s16;
	[dreg:$0x19] =	wrdreg s31  }
0x1f: {  	[dreg:$0x1a] =	wrdreg s29;
	s30 =	sadd.s32 s14, s17  }
0x20: {  	s31 =	sadd.s32 s14, s19;
	[dreg:$0x1b] =	wrdreg s30  }
0x21: {  	s29 =	sadd.s32 s14, s18;
	[dreg:$0x1c] =	wrdreg s31  }
0x22: {  	s28 =	sadd.s32 s11, s24;
	[dreg:$0x1d] =	wrdreg s29  }
0x23: {  	s30 =	sadd.s32 s14, s20;
	[smem:$0x7E1] =	sst s28  }
0x24: {  	s7 =	sadd.s32 $0x200, s7;
	s14 =	sadd.s32 s14, s21;
	[dreg:$0x1e] =	wrdreg s30  }
0x25: {  	s25 =	sshll.u32 s7, $0x7;
	s31 =	sadd.s32 s10, s24;
	[dreg:$0x1f] =	wrdreg s14  }
0x26: {  	s13 =	sadd.s32 s13, s25;
	s29 =	sadd.s32 s24, s15;
	[smem:$0x7E0] =	sst s31  }
0x27: {  	s13 =	sshrl.u32 s13, $0x3;
	s28 =	sadd.s32 s24, s19;
	[smem:$0x7E2] =	sst s29  }
0x28: {  	s10 =	sadd.s32 s10, s13;
	s11 =	sadd.s32 s11, s13;
	[smem:$0x7E5] =	sst s28  }
0x29: {  	s30 =	sadd.s32 s24, s16;
	s31 =	sadd.s32 s24, s17;
	[smem:$0x7E9] =	sst s10  }
0x2a: {  	[smem:$0x7EA] =	sst s11;
	s14 =	sadd.s32 s13, s15;
	s15 =	sadd.s32 s13, s16  }
0x2b: {  	s16 =	sadd.s32 s13, s17;
	s17 =	sadd.s32 s13, s19;
	s19 =	rddreg [dreg:$0x1]  }
0x2c: {  	[smem:$0x7E3] =	sst s30  }
0x2d: {  	s29 =	sadd.s32 s24, s18;
	[smem:$0x7E4] =	sst s31  }
0x2e: {  	[smem:$0x7E6] =	sst s29  }
0x2f: {  	[smem:$0x7EB] =	sst s14  }
0x30: {  	[smem:$0x7EC] =	sst s15  }
0x31: {  	[smem:$0x7ED] =	sst s16  }
0x32: {  	s28 =	sadd.s32 s13, s20;
	[smem:$0x7EE] =	sst s17  }
0x33: {  	s0 =	smax.u32 s0, $0x1;
	[smem:$0x7F0] =	sst s28  }
0x34: {  	s10 =	simm.s32 $0x200;
	s30 =	sadd.s32 s24, s20;
	s16 =	rddreg [dreg:$0x2]  }
0x35: {  	s31 =	sadd.s32 s24, s21;
	s24 =	sadd.s32 s13, s18;
	s18 =	rddreg [dreg:$0x3]  }
0x36: {  	s29 =	sadd.s32 s13, s21;
	s20 =	sadd.s32 $0x1400, s2;
	[smem:$0x7E7] =	sst s30  }
0x37: {  	s13 =	sadd.s32 $0x29400, s2;
	s14 =	sadd.s32 $0x29C00, s2;
	[smem:$0x7E8] =	sst s31  }
0x38: {  	s2 =	sadd.s32 $0x2A200, s2;
	s15 =	smul.u32 $0xA000, s26;
	[smem:$0x7EF] =	sst s24  }
0x39: {  	s26 =	sshll.u32 s7, $0x4;
	[smem:$0x7F1] =	sst s29;
	s30 =	sshll.u32 s12, $0x5  }
0x3a: {  	s31 =	sadd.s32 s19, s9;
	_ =	strace $0x80000047;
	[smem:$0x7F2] =	sst s13  }
0x3b: {  	s3 =	sadd.s32 s3, s16;
	s17 =	sadd.s32 s8, s16;
	[smem:$0x7F3] =	sst s14  }
0x3c: {  	s21 =	sadd.s32 s23, s16;
	s23 =	sadd.s32 s25, s16;
	[smem:$0x7F4] =	sst s2  }
0x3d: {  	s24 =	sshll.u32 s4, $0x4;
	s25 =	sshll.u32 s6, $0x4;
	[smem:$0x7F5] =	sst s3  }
0x3e: {  	s8 =	simm.s32 $0x5;
	s9 =	simm.s32 $0x80;
	[smem:$0x7F6] =	sst s17  }
0x3f: {  	s12 =	simm.s32 $0x4200;
	s11 =	sadd.s32 s30, s19;
	[smem:$0x7F8] =	sst s21  }
0x40: {  	s19 =	sadd.s32 s22, s16;
	s2 =	sshrl.u32 s15, $0x2;
	[smem:$0x7F9] =	sst s23  }
0x41: {  	s22 =	sshll.u32 s5, $0x4;
	s28 =	sadd.s32 s24, s18;
	[smem:$0x7FB] =	sst s0  }
0x42: {  	s29 =	sadd.s32 s25, s18;
	s30 =	sadd.s32 s26, s18;
	[smem:$0x7FC] =	sst s31  }
0x43: {  	s31 =	sadd.s32 $0x20, s31;
	s13 =	simm.s32 $0x8200;
	s14 =	simm.s32 $0x1  }
0x44: {  	s15 =	simm.s32 $0x3;
	s17 =	simm.s32 $0x2;
	s23 =	simm.s32 $0x4  }
0x45: {  	s24 =	simm.s32 $0x10;
	s25 =	simm.s32 $0x0;
	[smem:$0x7F7] =	sst s19  }
0x46: {  	s2 =	sadd.s32 s2, s18;
	s3 =	sadd.s32 s22, s18;
	s0 =	sadd.s32 $0x60, s11  }
0x47: {  	s4 =	sshrl.u32 s28, $0x3;
	s5 =	sshrl.u32 s29, $0x3;
	[smem:$0x7FD] =	sst s31  }
0x48: {  	s6 =	sshrl.u32 s30, $0x3;
	s22 =	simm.s32 $0x180;
	[smem:$0x7FA] =	sst s2  }
0x49: {  	s2 =	sadd.s32 $0x40, s11;
	s3 =	sshrl.u32 s3, $0x3;
	s11 =	simm.s32 $0x100  }
.LBB2_1:
0x4a: {  	s7 =	sld [smem:$0x7FC];
	_ =	sdelay $0x2  }
0x4b: {  	[tilespmem:s1], [sflag:$0x5] =	stream.linear.gather [hbm4b:s7+s1], $0x100, $0x38;
	[tilespmem:$0x1F200] =	vst v63  }
0x4c: {  	_ =	swait.ge [sflag:s8], $0x100  }
0x4d: {  	[sflag:s8] =	ssyncset.done $0x0  }
0x4e: {  	s21 =	sld [smem:$0x7FD];
	[sflag:s8] =	ssyncadd.s32 $0xFFFFFF00  }
0x4f: {  	[tilespmem:s10], [sflag:$0x1] =	stream.indirect.gather [hbm4b:s20+s9], $0x80, s1, s9, $0xb8;
	[tilespmem:$0x1F200] =	vst v63  }
0x50: {  	_ = 	snop  }
0x51: {  	[tilespmem:s11], [sflag:$0x5] =	stream.linear.gather [hbm4b:s21+s1], $0x100, $0x38;
	[tilespmem:$0x1F200] =	vst v63  }
0x52: {  	_ =	swait.ge [sflag:s8], $0x100  }
0x53: {  	s26 =	stileid.u32;
	s19 =	sld [smem:$0x7F5]  }
0x54: {  	s7 =	sshll.u32 s26, $0x6  }
0x55: {  	s26 =	sor.u32 $0x1C05, s7  }
0x56: {  	[sflag:s8] =	ssyncset.done $0x0;
	s7 =	sshrl.u32 s19, $0x3;
	s19 =	sld [smem:$0x7F2]  }
0x57: {  	[sflag:s8] =	ssyncadd.s32 $0xFFFFFF00  }
0x58: {  	[tilespmem:s12], [sflag:$0x2] =	stream.indirect.gather [hbm4b:s20+s9], $0x80, s11, s9, $0xb8;
	[tilespmem:$0x1F200] =	vst v63  }
0x59: {  	[spmem:s7], [sflag:s26] =	dma.local [hbm:s19], $0x800  }
0x5a: {  	_ =	swait.ge [sflag:s8], $0x800  }
0x5b: {  	s21 =	sld [smem:$0x7F6];
	_ =	sdelay $0x1  }
0x5c: {  	[sflag:s8] =	ssyncset.done $0x0  }
0x5d: {  	[sflag:s8] =	ssyncadd.s32 $0xFFFFF800;
	s30 =	sshrl.u32 s21, $0x3  }
0x5e: {  	[spmem:s30], [sflag:s26] =	dma.local [hbm:s19], $0x800  }
0x5f: {  	_ =	swait.ge [sflag:s8], $0x800  }
0x60: {  	s21 =	sld [smem:$0x7F7];
	_ =	sdelay $0x1  }
0x61: {  	[sflag:s8] =	ssyncset.done $0x0  }
0x62: {  	[sflag:s8] =	ssyncadd.s32 $0xFFFFF800;
	s29 =	sshrl.u32 s21, $0x3  }
0x63: {  	[spmem:s29], [sflag:s26] =	dma.local [hbm:s19], $0x800  }
0x64: {  	_ =	swait.ge [sflag:s8], $0x800  }
0x65: {  	s21 =	sld [smem:$0x7F8];
	_ =	sdelay $0x2  }
0x66: {  	[sflag:s8] =	ssyncset.done $0x0;
	s21 =	sshrl.u32 s21, $0x3  }
0x67: {  	[sflag:s8] =	ssyncadd.s32 $0xFFFFF800;
	[smem:$0x7DE] =	sst s21  }
0x68: {  	[spmem:s21], [sflag:s26] =	dma.local [hbm:s19], $0x800  }
0x69: {  	_ =	swait.ge [sflag:s8], $0x800  }
0x6a: {  	s21 =	sld [smem:$0x7F9];
	_ =	sdelay $0x2  }
0x6b: {  	[sflag:s8] =	ssyncset.done $0x0;
	s21 =	sshrl.u32 s21, $0x3  }
0x6c: {  	[sflag:s8] =	ssyncadd.s32 $0xFFFFF800;
	[smem:$0x7DF] =	sst s21  }
0x6d: {  	[spmem:s21], [sflag:s26] =	dma.local [hbm:s19], $0x800  }
0x6e: {  	_ =	swait.ge [sflag:s8], $0x800  }
0x6f: {  	s21 =	sld [smem:$0x7FA];
	_ =	sdelay $0x2  }
0x70: {  	s31 =	sshrl.u32 s21, $0x3;
	s21 =	sld [smem:$0x7F3]  }
0x71: {  	[sflag:s8] =	ssyncset.done $0x0  }
0x72: {  	[sflag:s8] =	ssyncadd.s32 $0xFFFFF800  }
0x73: {  	[spmem:s31], [sflag:s26] =	dma.local [hbm:s21], $0x500  }
0x74: {  	_ =	swait.ge [sflag:s8], $0x500  }
0x75: {  	s21 =	sld [smem:$0x7F4]  }
0x76: {  	[sflag:s8] =	ssyncset.done $0x0  }
0x77: {  	[sflag:s8] =	ssyncadd.s32 $0xFFFFFB00  }
0x78: {  	[tilespmem:s13], [sflag:$0x5] =	stream.linear.gather [hbm4b:s21+s1], $0x800, $0x38;
	[tilespmem:$0x1F200] =	vst v63  }
0x79: {  	_ =	swait.ge [sflag:s8], $0x800  }
0x7a: {  	[sflag:s8] =	ssyncset.done $0x0  }
0x7b: {  	[sflag:s8] =	ssyncadd.s32 $0xFFFFF800  }
0x7c: {  	[bflag:$0x0] =	sbarrier.arrive $0xFFFF  }
0x7d: {  	_ =	swait.ge [sflag:s14], $0x4000  }
0x7e: {  	[sflag:s14] =	ssyncset.done $0x0  }
0x7f: {  	[sflag:s14] =	ssyncadd.s32 $0xFFFFC000  }
0x80: {  	[spmem:s18] =	stream.indirect.scatter.add.f32 [tilespmem:s13], [sflag:$0x3], $0x10, s9, s9, $0xb8;
	[tilespmem:$0x1F200] =	vst v63  }
0x81: {  	_ = 	snop  }
0x82: {  	[spmem:s16] =	stream.indirect.scatter.add.f32 [tilespmem:s10], [sflag:$0x5], $0x80, s9, s9, $0xb8;
	[tilespmem:$0x1F200] =	vst v63  }
0x83: {  	_ =	swait.ge [sflag:s8], $0x4000  }
0x84: {  	[sflag:s8] =	ssyncset.done $0x0  }
0x85: {  	[sflag:s8] =	ssyncadd.s32 $0xFFFFC000  }
0x86: {  	_ =	swait.ge [sflag:s15], $0x800  }
0x87: {  	[sflag:s15] =	ssyncset.done $0x0  }
0x88: {  	s28 =	sadd.s32 $0x0, s2;
	[sflag:s15] =	ssyncadd.s32 $0xFFFFF800  }
0x89: {  	[tilespmem:s1], [sflag:$0x5] =	stream.linear.gather [hbm4b:s28+s1], $0x100, $0x38;
	[tilespmem:$0x1F200] =	vst v63  }
0x8a: {  	_ =	swait.ge [sflag:s8], $0x100  }
0x8b: {  	[sflag:s8] =	ssyncset.done $0x0  }
0x8c: {  	[sflag:s8] =	ssyncadd.s32 $0xFFFFFF00  }
0x8d: {  	[tilespmem:s10], [sflag:$0x1] =	stream.indirect.gather [hbm4b:s20+s9], $0x80, s1, s9, $0xb8;
	[tilespmem:$0x1F200] =	vst v63  }
0x8e: {  	_ =	swait.ge [sflag:s17], $0x4000  }
0x8f: {  	[sflag:s17] =	ssyncset.done $0x0  }
0x90: {  	[sflag:s17] =	ssyncadd.s32 $0xFFFFC000  }
0x91: {  	[spmem:s18] =	stream.indirect.scatter.add.f32 [tilespmem:s13], [sflag:$0x4], $0x10, s22, s9, $0xb8;
	[tilespmem:$0x1F200] =	vst v63  }
0x92: {  	_ = 	snop  }
0x93: {  	[spmem:s16] =	stream.indirect.scatter.add.f32 [tilespmem:s12], [sflag:$0x5], $0x80, s22, s9, $0xb8;
	[tilespmem:$0x1F200] =	vst v63  }
0x94: {  	_ =	swait.ge [sflag:s8], $0x4000  }
0x95: {  	[sflag:s8] =	ssyncset.done $0x0  }
0x96: {  	[sflag:s8] =	ssyncadd.s32 $0xFFFFC000  }
0x97: {  	_ =	swait.ge [sflag:s23], $0x800  }
0x98: {  	[sflag:s23] =	ssyncset.done $0x0  }
0x99: {  	s28 =	sadd.s32 $0x0, s0;
	[sflag:s23] =	ssyncadd.s32 $0xFFFFF800  }
0x9a: {  	[tilespmem:s11], [sflag:$0x5] =	stream.linear.gather [hbm4b:s28+s1], $0x100, $0x38;
	[tilespmem:$0x1F200] =	vst v63  }
0x9b: {  	_ =	swait.ge [sflag:s8], $0x100  }
0x9c: {  	[sflag:s8] =	ssyncset.done $0x0  }
0x9d: {  	s28 =	simm.s32 $0x40;
	[sflag:s8] =	ssyncadd.s32 $0xFFFFFF00  }
.LBB2_2:
0x9e: {  	[tilespmem:s12], [sflag:$0x2] =	stream.indirect.gather [hbm4b:s20+s9], $0x80, s11, s9, $0xb8;
	[tilespmem:$0x1F200] =	vst v63  }
0x9f: {  	s19 =	smov.u32 s28  }
0xa0: {  	p0 =	sne.s32 s28, $0x9C0;
	s28 =	sadd.s32 $0x40, s28;
	_ =	swait.ge [sflag:s14], $0x4000  }
0xa1: {  	[sflag:s14] =	ssyncset.done $0x0  }
0xa2: {  	[sflag:s14] =	ssyncadd.s32 $0xFFFFC000  }
0xa3: {  	[spmem:s18] =	stream.indirect.scatter.add.f32 [tilespmem:s13], [sflag:$0x3], $0x10, s9, s9, $0xb8;
	[tilespmem:$0x1F200] =	vst v63  }
0xa4: {  	_ = 	snop  }
0xa5: {  	[spmem:s16] =	stream.indirect.scatter.add.f32 [tilespmem:s10], [sflag:$0x5], $0x80, s9, s9, $0xb8;
	[tilespmem:$0x1F200] =	vst v63  }
0xa6: {  	_ =	swait.ge [sflag:s8], $0x4000  }
0xa7: {  	[sflag:s8] =	ssyncset.done $0x0  }
0xa8: {  	[sflag:s8] =	ssyncadd.s32 $0xFFFFC000  }
0xa9: {  	_ =	swait.ge [sflag:s15], $0x800  }
0xaa: {  	[sflag:s15] =	ssyncset.done $0x0  }
0xab: {  	s21 =	sadd.s32 s19, s2;
	[sflag:s15] =	ssyncadd.s32 $0xFFFFF800  }
0xac: {  	[tilespmem:s1], [sflag:$0x5] =	stream.linear.gather [hbm4b:s21+s1], $0x100, $0x38;
	[tilespmem:$0x1F200] =	vst v63  }
0xad: {  	_ =	swait.ge [sflag:s8], $0x100  }
0xae: {  	[sflag:s8] =	ssyncset.done $0x0  }
0xaf: {  	[sflag:s8] =	ssyncadd.s32 $0xFFFFFF00  }
0xb0: {  	[tilespmem:s10], [sflag:$0x1] =	stream.indirect.gather [hbm4b:s20+s9], $0x80, s1, s9, $0xb8;
	[tilespmem:$0x1F200] =	vst v63  }
0xb1: {  	_ =	swait.ge [sflag:s17], $0x4000  }
0xb2: {  	[sflag:s17] =	ssyncset.done $0x0  }
0xb3: {  	[sflag:s17] =	ssyncadd.s32 $0xFFFFC000  }
0xb4: {  	[spmem:s18] =	stream.indirect.scatter.add.f32 [tilespmem:s13], [sflag:$0x4], $0x10, s22, s9, $0xb8;
	[tilespmem:$0x1F200] =	vst v63  }
0xb5: {  	_ = 	snop  }
0xb6: {  	[spmem:s16] =	stream.indirect.scatter.add.f32 [tilespmem:s12], [sflag:$0x5], $0x80, s22, s9, $0xb8;
	[tilespmem:$0x1F200] =	vst v63  }
0xb7: {  	_ =	swait.ge [sflag:s8], $0x4000  }
0xb8: {  	[sflag:s8] =	ssyncset.done $0x0  }
0xb9: {  	[sflag:s8] =	ssyncadd.s32 $0xFFFFC000  }
0xba: {  	_ =	swait.ge [sflag:s23], $0x800  }
0xbb: {  	[sflag:s23] =	ssyncset.done $0x0  }
.Ltmp0:
0xbc: {  	s19 =	sadd.s32 s19, s0;
	[sflag:s23] =	ssyncadd.s32 $0xFFFFF800;
	(pc) =	sbr.rel @p0 .LBB2_2-.Ltmp0, $4  }
0xbd: {  	[tilespmem:s11], [sflag:$0x5] =	stream.linear.gather [hbm4b:s19+s1], $0x100, $0x38;
	[tilespmem:$0x1F200] =	vst v63  }
0xbe: {  	_ =	swait.ge [sflag:s8], $0x100  }
0xbf: {  	[sflag:s8] =	ssyncset.done $0x0  }
0xc0: {  	[sflag:s8] =	ssyncadd.s32 $0xFFFFFF00  }
0xc1: {  	[tilespmem:s12], [sflag:$0x2] =	stream.indirect.gather [hbm4b:s20+s9], $0x80, s11, s9, $0xb8;
	[tilespmem:$0x1F200] =	vst v63  }
0xc2: {  	_ =	swait.ge [sflag:s14], $0x4000  }
0xc3: {  	[sflag:s14] =	ssyncset.done $0x0  }
0xc4: {  	[sflag:s14] =	ssyncadd.s32 $0xFFFFC000  }
0xc5: {  	_ =	swait.ge [sflag:s17], $0x4000  }
0xc6: {  	[sflag:s17] =	ssyncset.done $0x0  }
0xc7: {  	[sflag:s17] =	ssyncadd.s32 $0xFFFFC000  }
0xc8: {  	[bflag:$0x0] =	sbarrier.arrive $0xFFFF  }
0xc9: {  	s19 =	rddreg [dreg:$0x5]  }
0xca: {  	[hbm:s19], [sflag:s26] =	dma.local [spmem:s7], $0x800  }
0xcb: {  	_ =	swait.ge [sflag:s8], $0x800  }
0xcc: {  	[sflag:s8] =	ssyncset.done $0x0  }
0xcd: {  	s28 =	rddreg [dreg:$0x6];
	[sflag:s8] =	ssyncadd.s32 $0xFFFFF800  }
0xce: {  	[hbm:s28@s24], [sflag:s26] =	dma.strided [spmem:s31@s17], $0x100, s14, $0x2   }
0xcf: {  	_ =	swait.ge [sflag:s8], $0x100  }
0xd0: {  	[sflag:s8] =	ssyncset.done $0x0  }
0xd1: {  	s19 =	rddreg [dreg:$0x7];
	[sflag:s8] =	ssyncadd.s32 $0xFFFFFF00  }
0xd2: {  	[hbm:s19@s24], [sflag:s26] =	dma.strided [spmem:s31@s17], $0x100, s14, $0x2   }
0xd3: {  	_ =	swait.ge [sflag:s8], $0x100  }
0xd4: {  	[sflag:s8] =	ssyncset.done $0x0  }
0xd5: {  	s21 =	rddreg [dreg:$0x8];
	[sflag:s8] =	ssyncadd.s32 $0xFFFFFF00  }
0xd6: {  	[hbm:s21@s24], [sflag:s26] =	dma.strided [spmem:s31@s17], $0x100, s14, $0x2   }
0xd7: {  	_ =	swait.ge [sflag:s8], $0x100  }
0xd8: {  	[sflag:s8] =	ssyncset.done $0x0  }
0xd9: {  	s28 =	rddreg [dreg:$0x9];
	[sflag:s8] =	ssyncadd.s32 $0xFFFFFF00  }
0xda: {  	[hbm:s28@s24], [sflag:s26] =	dma.strided [spmem:s31@s17], $0x100, s14, $0x2   }
0xdb: {  	_ =	swait.ge [sflag:s8], $0x100  }
0xdc: {  	[sflag:s8] =	ssyncset.done $0x0  }
0xdd: {  	s19 =	rddreg [dreg:$0xa];
	[sflag:s8] =	ssyncadd.s32 $0xFFFFFF00  }
0xde: {  	[hbm:s19@s24], [sflag:s26] =	dma.strided [spmem:s31@s17], $0x100, s14, $0x2   }
0xdf: {  	_ =	swait.ge [sflag:s8], $0x100  }
0xe0: {  	[sflag:s8] =	ssyncset.done $0x0  }
0xe1: {  	s21 =	rddreg [dreg:$0xb];
	[sflag:s8] =	ssyncadd.s32 $0xFFFFFF00  }
0xe2: {  	[hbm:s21@s24], [sflag:s26] =	dma.strided [spmem:s31@s17], $0x100, s14, $0x2   }
0xe3: {  	_ =	swait.ge [sflag:s8], $0x100  }
0xe4: {  	[sflag:s8] =	ssyncset.done $0x0  }
0xe5: {  	s28 =	rddreg [dreg:$0xc];
	[sflag:s8] =	ssyncadd.s32 $0xFFFFFF00  }
0xe6: {  	[hbm:s28@s24], [sflag:s26] =	dma.strided [spmem:s31@s17], $0x100, s14, $0x2   }
0xe7: {  	_ =	swait.ge [sflag:s8], $0x100  }
0xe8: {  	[sflag:s8] =	ssyncset.done $0x0  }
0xe9: {  	s19 =	rddreg [dreg:$0xd];
	[sflag:s8] =	ssyncadd.s32 $0xFFFFFF00  }
0xea: {  	[hbm:s19@s24], [sflag:s26] =	dma.strided [spmem:s31@s17], $0x100, s14, $0x2   }
0xeb: {  	_ =	swait.ge [sflag:s8], $0x100  }
0xec: {  	[sflag:s8] =	ssyncset.done $0x0  }
0xed: {  	s21 =	rddreg [dreg:$0xe];
	[sflag:s8] =	ssyncadd.s32 $0xFFFFFF00  }
0xee: {  	[hbm:s21], [sflag:s26] =	dma.local [spmem:s30], $0x800  }
0xef: {  	_ =	swait.ge [sflag:s8], $0x800  }
0xf0: {  	[sflag:s8] =	ssyncset.done $0x0  }
0xf1: {  	s28 =	rddreg [dreg:$0xf];
	[sflag:s8] =	ssyncadd.s32 $0xFFFFF800  }
0xf2: {  	[hbm:s28@s24], [sflag:s26] =	dma.strided [spmem:s3@s17], $0x100, s14, $0x2   }
0xf3: {  	_ =	swait.ge [sflag:s8], $0x100  }
0xf4: {  	[sflag:s8] =	ssyncset.done $0x0  }
0xf5: {  	s30 =	rddreg [dreg:$0x10];
	[sflag:s8] =	ssyncadd.s32 $0xFFFFFF00  }
0xf6: {  	[hbm:s30@s24], [sflag:s26] =	dma.strided [spmem:s3@s17], $0x100, s14, $0x2   }
0xf7: {  	_ =	swait.ge [sflag:s8], $0x100  }
0xf8: {  	[sflag:s8] =	ssyncset.done $0x0  }
0xf9: {  	s31 =	rddreg [dreg:$0x11];
	[sflag:s8] =	ssyncadd.s32 $0xFFFFFF00  }
0xfa: {  	[hbm:s31@s24], [sflag:s26] =	dma.strided [spmem:s3@s17], $0x100, s14, $0x2   }
0xfb: {  	_ =	swait.ge [sflag:s8], $0x100  }
0xfc: {  	[sflag:s8] =	ssyncset.done $0x0  }
0xfd: {  	s19 =	rddreg [dreg:$0x12];
	[sflag:s8] =	ssyncadd.s32 $0xFFFFFF00  }
0xfe: {  	[hbm:s19@s24], [sflag:s26] =	dma.strided [spmem:s3@s17], $0x100, s14, $0x2   }
0xff: {  	_ =	swait.ge [sflag:s8], $0x100  }
0x100: {  	[sflag:s8] =	ssyncset.done $0x0  }
0x101: {  	s21 =	rddreg [dreg:$0x13];
	[sflag:s8] =	ssyncadd.s32 $0xFFFFFF00  }
0x102: {  	[hbm:s21@s24], [sflag:s26] =	dma.strided [spmem:s3@s17], $0x100, s14, $0x2   }
0x103: {  	_ =	swait.ge [sflag:s8], $0x100  }
0x104: {  	[sflag:s8] =	ssyncset.done $0x0  }
0x105: {  	s28 =	rddreg [dreg:$0x14];
	[sflag:s8] =	ssyncadd.s32 $0xFFFFFF00  }
0x106: {  	[hbm:s28@s24], [sflag:s26] =	dma.strided [spmem:s3@s17], $0x100, s14, $0x2   }
0x107: {  	_ =	swait.ge [sflag:s8], $0x100  }
0x108: {  	[sflag:s8] =	ssyncset.done $0x0  }
0x109: {  	s30 =	rddreg [dreg:$0x15];
	[sflag:s8] =	ssyncadd.s32 $0xFFFFFF00  }
0x10a: {  	[hbm:s30@s24], [sflag:s26] =	dma.strided [spmem:s3@s17], $0x100, s14, $0x2   }
0x10b: {  	_ =	swait.ge [sflag:s8], $0x100  }
0x10c: {  	[sflag:s8] =	ssyncset.done $0x0  }
0x10d: {  	s31 =	rddreg [dreg:$0x16];
	[sflag:s8] =	ssyncadd.s32 $0xFFFFFF00  }
0x10e: {  	[hbm:s31@s24], [sflag:s26] =	dma.strided [spmem:s3@s17], $0x100, s14, $0x2   }
0x10f: {  	_ =	swait.ge [sflag:s8], $0x100  }
0x110: {  	[sflag:s8] =	ssyncset.done $0x0  }
0x111: {  	s19 =	rddreg [dreg:$0x17];
	[sflag:s8] =	ssyncadd.s32 $0xFFFFFF00  }
0x112: {  	[hbm:s19], [sflag:s26] =	dma.local [spmem:s29], $0x800  }
0x113: {  	_ =	swait.ge [sflag:s8], $0x800  }
0x114: {  	[sflag:s8] =	ssyncset.done $0x0  }
0x115: {  	s21 =	rddreg [dreg:$0x18];
	[sflag:s8] =	ssyncadd.s32 $0xFFFFF800  }
0x116: {  	[hbm:s21@s24], [sflag:s26] =	dma.strided [spmem:s4@s17], $0x100, s14, $0x2   }
0x117: {  	_ =	swait.ge [sflag:s8], $0x100  }
0x118: {  	[sflag:s8] =	ssyncset.done $0x0  }
0x119: {  	s28 =	rddreg [dreg:$0x19];
	[sflag:s8] =	ssyncadd.s32 $0xFFFFFF00  }
0x11a: {  	[hbm:s28@s24], [sflag:s26] =	dma.strided [spmem:s4@s17], $0x100, s14, $0x2   }
0x11b: {  	_ =	swait.ge [sflag:s8], $0x100  }
0x11c: {  	[sflag:s8] =	ssyncset.done $0x0  }
0x11d: {  	s29 =	rddreg [dreg:$0x1a];
	[sflag:s8] =	ssyncadd.s32 $0xFFFFFF00  }
0x11e: {  	[hbm:s29@s24], [sflag:s26] =	dma.strided [spmem:s4@s17], $0x100, s14, $0x2   }
0x11f: {  	_ =	swait.ge [sflag:s8], $0x100  }
0x120: {  	[sflag:s8] =	ssyncset.done $0x0  }
0x121: {  	s30 =	rddreg [dreg:$0x1b];
	[sflag:s8] =	ssyncadd.s32 $0xFFFFFF00  }
0x122: {  	[hbm:s30@s24], [sflag:s26] =	dma.strided [spmem:s4@s17], $0x100, s14, $0x2   }
0x123: {  	_ =	swait.ge [sflag:s8], $0x100  }
0x124: {  	[sflag:s8] =	ssyncset.done $0x0  }
0x125: {  	s31 =	rddreg [dreg:$0x1c];
	[sflag:s8] =	ssyncadd.s32 $0xFFFFFF00  }
0x126: {  	[hbm:s31@s24], [sflag:s26] =	dma.strided [spmem:s4@s17], $0x100, s14, $0x2   }
0x127: {  	_ =	swait.ge [sflag:s8], $0x100  }
0x128: {  	[sflag:s8] =	ssyncset.done $0x0  }
0x129: {  	s19 =	rddreg [dreg:$0x1d];
	[sflag:s8] =	ssyncadd.s32 $0xFFFFFF00  }
0x12a: {  	[hbm:s19@s24], [sflag:s26] =	dma.strided [spmem:s4@s17], $0x100, s14, $0x2   }
0x12b: {  	_ =	swait.ge [sflag:s8], $0x100  }
0x12c: {  	[sflag:s8] =	ssyncset.done $0x0  }
0x12d: {  	s21 =	rddreg [dreg:$0x1e];
	[sflag:s8] =	ssyncadd.s32 $0xFFFFFF00  }
0x12e: {  	[hbm:s21@s24], [sflag:s26] =	dma.strided [spmem:s4@s17], $0x100, s14, $0x2   }
0x12f: {  	_ =	swait.ge [sflag:s8], $0x100  }
0x130: {  	[sflag:s8] =	ssyncset.done $0x0  }
0x131: {  	s28 =	rddreg [dreg:$0x1f];
	[sflag:s8] =	ssyncadd.s32 $0xFFFFFF00  }
0x132: {  	[hbm:s28@s24], [sflag:s26] =	dma.strided [spmem:s4@s17], $0x100, s14, $0x2   }
0x133: {  	_ =	swait.ge [sflag:s8], $0x100  }
0x134: {  	s29 =	sld [smem:$0x7E0]  }
0x135: {  	s30 =	sld [smem:$0x7DE]  }
0x136: {  	[sflag:s8] =	ssyncset.done $0x0  }
0x137: {  	[sflag:s8] =	ssyncadd.s32 $0xFFFFFF00  }
0x138: {  	[hbm:s29], [sflag:s26] =	dma.local [spmem:s30], $0x800  }
0x139: {  	_ =	swait.ge [sflag:s8], $0x800  }
0x13a: {  	s31 =	sld [smem:$0x7E1]  }
0x13b: {  	[sflag:s8] =	ssyncset.done $0x0  }
0x13c: {  	[sflag:s8] =	ssyncadd.s32 $0xFFFFF800  }
0x13d: {  	[hbm:s31@s24], [sflag:s26] =	dma.strided [spmem:s5@s17], $0x100, s14, $0x2   }
0x13e: {  	_ =	swait.ge [sflag:s8], $0x100  }
0x13f: {  	s19 =	sld [smem:$0x7E2]  }
0x140: {  	[sflag:s8] =	ssyncset.done $0x0  }
0x141: {  	[sflag:s8] =	ssyncadd.s32 $0xFFFFFF00  }
0x142: {  	[hbm:s19@s24], [sflag:s26] =	dma.strided [spmem:s5@s17], $0x100, s14, $0x2   }
0x143: {  	_ =	swait.ge [sflag:s8], $0x100  }
0x144: {  	s21 =	sld [smem:$0x7E3]  }
0x145: {  	[sflag:s8] =	ssyncset.done $0x0  }
0x146: {  	[sflag:s8] =	ssyncadd.s32 $0xFFFFFF00  }
0x147: {  	[hbm:s21@s24], [sflag:s26] =	dma.strided [spmem:s5@s17], $0x100, s14, $0x2   }
0x148: {  	_ =	swait.ge [sflag:s8], $0x100  }
0x149: {  	s28 =	sld [smem:$0x7E4]  }
0x14a: {  	[sflag:s8] =	ssyncset.done $0x0  }
0x14b: {  	[sflag:s8] =	ssyncadd.s32 $0xFFFFFF00  }
0x14c: {  	[hbm:s28@s24], [sflag:s26] =	dma.strided [spmem:s5@s17], $0x100, s14, $0x2   }
0x14d: {  	_ =	swait.ge [sflag:s8], $0x100  }
0x14e: {  	s29 =	sld [smem:$0x7E5]  }
0x14f: {  	[sflag:s8] =	ssyncset.done $0x0  }
0x150: {  	[sflag:s8] =	ssyncadd.s32 $0xFFFFFF00  }
0x151: {  	[hbm:s29@s24], [sflag:s26] =	dma.strided [spmem:s5@s17], $0x100, s14, $0x2   }
0x152: {  	_ =	swait.ge [sflag:s8], $0x100  }
0x153: {  	s30 =	sld [smem:$0x7E6]  }
0x154: {  	[sflag:s8] =	ssyncset.done $0x0  }
0x155: {  	[sflag:s8] =	ssyncadd.s32 $0xFFFFFF00  }
0x156: {  	[hbm:s30@s24], [sflag:s26] =	dma.strided [spmem:s5@s17], $0x100, s14, $0x2   }
0x157: {  	_ =	swait.ge [sflag:s8], $0x100  }
0x158: {  	s31 =	sld [smem:$0x7E7]  }
0x159: {  	[sflag:s8] =	ssyncset.done $0x0  }
0x15a: {  	[sflag:s8] =	ssyncadd.s32 $0xFFFFFF00  }
0x15b: {  	[hbm:s31@s24], [sflag:s26] =	dma.strided [spmem:s5@s17], $0x100, s14, $0x2   }
0x15c: {  	_ =	swait.ge [sflag:s8], $0x100  }
0x15d: {  	s19 =	sld [smem:$0x7E8]  }
0x15e: {  	[sflag:s8] =	ssyncset.done $0x0  }
0x15f: {  	[sflag:s8] =	ssyncadd.s32 $0xFFFFFF00  }
0x160: {  	[hbm:s19@s24], [sflag:s26] =	dma.strided [spmem:s5@s17], $0x100, s14, $0x2   }
0x161: {  	_ =	swait.ge [sflag:s8], $0x100  }
0x162: {  	s21 =	sld [smem:$0x7E9]  }
0x163: {  	s28 =	sld [smem:$0x7DF]  }
0x164: {  	[sflag:s8] =	ssyncset.done $0x0  }
0x165: {  	[sflag:s8] =	ssyncadd.s32 $0xFFFFFF00  }
0x166: {  	[hbm:s21], [sflag:s26] =	dma.local [spmem:s28], $0x800  }
0x167: {  	_ =	swait.ge [sflag:s8], $0x800  }
0x168: {  	s29 =	sld [smem:$0x7EA]  }
0x169: {  	[sflag:s8] =	ssyncset.done $0x0  }
0x16a: {  	[sflag:s8] =	ssyncadd.s32 $0xFFFFF800  }
0x16b: {  	[hbm:s29@s24], [sflag:s26] =	dma.strided [spmem:s6@s17], $0x100, s14, $0x2   }
0x16c: {  	_ =	swait.ge [sflag:s8], $0x100  }
0x16d: {  	s30 =	sld [smem:$0x7EB]  }
0x16e: {  	[sflag:s8] =	ssyncset.done $0x0  }
0x16f: {  	[sflag:s8] =	ssyncadd.s32 $0xFFFFFF00  }
0x170: {  	[hbm:s30@s24], [sflag:s26] =	dma.strided [spmem:s6@s17], $0x100, s14, $0x2   }
0x171: {  	_ =	swait.ge [sflag:s8], $0x100  }
0x172: {  	s31 =	sld [smem:$0x7EC]  }
0x173: {  	[sflag:s8] =	ssyncset.done $0x0  }
0x174: {  	[sflag:s8] =	ssyncadd.s32 $0xFFFFFF00  }
0x175: {  	[hbm:s31@s24], [sflag:s26] =	dma.strided [spmem:s6@s17], $0x100, s14, $0x2   }
0x176: {  	_ =	swait.ge [sflag:s8], $0x100  }
0x177: {  	s19 =	sld [smem:$0x7ED]  }
0x178: {  	[sflag:s8] =	ssyncset.done $0x0  }
0x179: {  	[sflag:s8] =	ssyncadd.s32 $0xFFFFFF00  }
0x17a: {  	[hbm:s19@s24], [sflag:s26] =	dma.strided [spmem:s6@s17], $0x100, s14, $0x2   }
0x17b: {  	_ =	swait.ge [sflag:s8], $0x100  }
0x17c: {  	s21 =	sld [smem:$0x7EE]  }
0x17d: {  	[sflag:s8] =	ssyncset.done $0x0  }
0x17e: {  	[sflag:s8] =	ssyncadd.s32 $0xFFFFFF00  }
0x17f: {  	[hbm:s21@s24], [sflag:s26] =	dma.strided [spmem:s6@s17], $0x100, s14, $0x2   }
0x180: {  	_ =	swait.ge [sflag:s8], $0x100  }
0x181: {  	s28 =	sld [smem:$0x7EF]  }
0x182: {  	[sflag:s8] =	ssyncset.done $0x0  }
0x183: {  	[sflag:s8] =	ssyncadd.s32 $0xFFFFFF00  }
0x184: {  	[hbm:s28@s24], [sflag:s26] =	dma.strided [spmem:s6@s17], $0x100, s14, $0x2   }
0x185: {  	_ =	swait.ge [sflag:s8], $0x100  }
0x186: {  	s29 =	sld [smem:$0x7F0]  }
0x187: {  	[sflag:s8] =	ssyncset.done $0x0  }
0x188: {  	[sflag:s8] =	ssyncadd.s32 $0xFFFFFF00  }
0x189: {  	[hbm:s29@s24], [sflag:s26] =	dma.strided [spmem:s6@s17], $0x100, s14, $0x2   }
0x18a: {  	_ =	swait.ge [sflag:s8], $0x100  }
0x18b: {  	s30 =	sld [smem:$0x7F1]  }
0x18c: {  	[sflag:s8] =	ssyncset.done $0x0  }
0x18d: {  	[sflag:s8] =	ssyncadd.s32 $0xFFFFFF00  }
0x18e: {  	[hbm:s30@s24], [sflag:s26] =	dma.strided [spmem:s6@s17], $0x100, s14, $0x2   }
0x18f: {  	_ =	swait.ge [sflag:s8], $0x100  }
0x190: {  	s31 =	sld [smem:$0x7FB];
	_ =	sdelay $0x1  }
0x191: {  	s25 =	sadd.s32 $0x1, s25  }
0x192: {  	p0 =	sne.s32 s25, s31  }
.Ltmp1:
0x193: {  	_ = 	snop;
	(pc) =	sbr.rel @p0 .LBB2_1-.Ltmp1, $3  }
0x194: {  	_ =	sdelay $0x1  }
0x195: {  	[sflag:s8] =	ssyncset.done $0x0  }
0x196: {  	[sflag:s8] =	ssyncadd.s32 $0xFFFFFF00  }
0x197: {  	_ =	sfence.sel $0x180000  }
0x198: {  	[bflag:$0x0] =	sbarrier.arrive $0xFFFF  }
0x199: {  	_ =	strace $0x90000047  }
0x19a: {  	s0 =	stileid.u32;
	[bflag:$0x2] =	sbarrier.arrive $0xFFFF  }
0x19b: {  	p0 =	sne.s32 s0, $0x0;
	s0 =	rddreg [dreg:$0x4]  }
0x19c: {  	s0 =	sadd.s32 @!p0 $0x100000, s0  }
0x19d: {  	[sflag:s0] =	ssyncadd.tile.s32 @!p0 $0x1;
	_ =	shalt  }
.Lfunc_end2:
_tile_overlayer_lowered:
.L_overlay_start_2:
0x19e: {  	(tag) =	ssettag $0x2  }
0x19f: {  	s0 =	rddreg [dreg:$0x0];
	s2 =	stileid.u32  }
0x1a0: {  	s1 =	rddreg [dreg:$0x1];
	p0 =	sne.s32 s2, $0x0  }
0x1a1: {  	s3 =	rddreg [dreg:$0x2];
	[bflag:$0x3] =	sbarrier.arrive $0xFFFF;
	s2 =	simm.s32 @!p0 $0x1C05  }
0x1a2: {  	[timem:s3], [sflag:s2] =	dma.local @!p0 [hbm:s0], s1  }
0x1a3: {  	s0 =	simm.s32 @!p0 $0x5  }
0x1a4: {  	_ =	swait.ge @!p0 [sflag:s0], s1  }
0x1a5: {  	s1 =	ssub.s32 @!p0 $0x0, s1;
	[sflag:s0] =	ssyncset.done @!p0 $0x0  }
0x1a6: {  	[sflag:s0] =	ssyncadd.s32 @!p0 s1  }
0x1a7: {  	[bflag:$0x3] =	sbarrier.arrive $0xFFFF  }
0x1a8: {  	_ =	shalt  }

</sc_bundles>
